<compile_context>
chip_gen: v7x
topology: tpu7x:2x2x1
jax: 0.10.2.dev20260603
libtpu: 0.0.44.dev20260713+nightly
codegen_flags: <defaults>
</compile_context>

<pallas_src>
import functools

import jax
import jax.numpy as jnp
from jax import lax
from jax.experimental import pallas as pl
from jax.experimental.pallas import tpu as pltpu
from jax.experimental.pallas import tpu_sc as plsc

EMBED_N = 100000
HIDDEN = 64
FIXED = 26
BATCH = 4096
SEQ = 50
SEQ_PAD = 56

NC, NS, LANES = 2, 16, 16
NW = NC * NS
NB_W = BATCH // NW
NVH = HIDDEN // LANES

TCOLS = 4096
GROWS = pl.cdiv(EMBED_N, TCOLS) * (TCOLS // 2)


def _g_body(t_ref, g_ref):
    xt = t_ref[...]
    ssq = jnp.sum(xt * xt, axis=0, keepdims=True)
    nrm = jnp.sqrt(ssq)
    scale = jnp.where(nrm > 1.0, 1.0 / (nrm + 1e-7), 1.0)
    rt = jnp.maximum(xt, 0.0) * scale
    gt = rt * rt
    ga = gt[:, : TCOLS // 2]
    gb = gt[:, TCOLS // 2 :]
    g_ref[...] = jnp.concatenate([ga.T, gb.T], axis=1)


NBUF = 8


def _sc_body(lab_ref, g_ref, out_ref, idx_v, rows_v, acc_v, sem_g):
    wid = lax.axis_index("c") * NS + lax.axis_index("s")
    b_base = wid * NB_W
    pltpu.sync_copy(lab_ref.at[pl.ds(b_base, NB_W)], idx_v)

    def gather(c):
        pltpu.async_copy(
            g_ref.at[idx_v.at[c, pl.ds(0, SEQ_PAD)]], rows_v.at[c % NBUF], sem_g
        )

    for c0 in range(NBUF - 1):
        gather(c0)

    @pl.loop(0, NB_W)
    def _(c):
        @pl.when(c + NBUF - 1 < NB_W)
        def _():
            gather(c + NBUF - 1)

        p = c % NBUF
        pltpu.make_async_copy(
            g_ref.at[idx_v.at[c, pl.ds(0, SEQ_PAD)]], rows_v.at[p], sem_g
        ).wait()

        accs = [jnp.zeros((LANES,), jnp.float32) for _ in range(NVH)]
        for l in range(SEQ):
            for j in range(NVH):
                accs[j] = accs[j] + rows_v[p, l, pl.ds(j * LANES, LANES)]
        for j in range(NVH):
            acc_v[c, pl.ds(j * LANES, LANES)] = accs[j]

    pltpu.sync_copy(acc_v, out_ref.at[pl.ds(b_base, NB_W)])


_sc_call = functools.partial(
    pl.kernel,
    out_type=jax.ShapeDtypeStruct((BATCH, HIDDEN), jnp.float32),
    mesh=plsc.VectorSubcoreMesh(
        core_axis_name="c", subcore_axis_name="s", num_cores=NC, num_subcores=NS
    ),
    compiler_params=pltpu.CompilerParams(use_tc_tiling_on_sc=False),
    scratch_types=[
        pltpu.VMEM((NB_W, 128), jnp.int32),
        pltpu.VMEM((NBUF, SEQ_PAD, HIDDEN), jnp.float32),
        pltpu.VMEM((NB_W, HIDDEN), jnp.float32),
        pltpu.SemaphoreType.DMA,
    ],
)


def _fin_body(acc_ref, fx_ref, w_ref, b_ref, o_ref):
    ew = jnp.sqrt(acc_ref[...])
    w = w_ref[...]
    wf = w[:, :FIXED]
    we = w[:, FIXED:]
    s = (
        jnp.sum(fx_ref[...] * wf, axis=1, keepdims=True)
        + jnp.sum(ew * we, axis=1, keepdims=True)
        + b_ref[0, 0]
    )
    o_ref[...] = jax.nn.sigmoid(s)


@jax.jit
def _impl(label, fixed, table, W, b):
    g2 = pl.pallas_call(
        _g_body,
        grid=(pl.cdiv(EMBED_N, TCOLS),),
        in_specs=[pl.BlockSpec((HIDDEN, TCOLS), lambda i: (0, i))],
        out_specs=pl.BlockSpec((TCOLS // 2, 2 * HIDDEN), lambda i: (i, 0)),
        out_shape=jax.ShapeDtypeStruct((GROWS, 2 * HIDDEN), jnp.float32),
    )(table.T)
    g = g2.reshape(2 * GROWS, HIDDEN)
    lab_pad = jnp.pad(label.astype(jnp.int32), ((0, 0), (0, 128 - SEQ)))
    col = jnp.arange(128, dtype=jnp.int32)[None, :]
    row = jnp.arange(BATCH, dtype=jnp.int32)[:, None]
    junk = (row * 79 + col * 131) % EMBED_N
    lab_pad = jnp.where(col < SEQ, lab_pad, junk)
    lab_pad = (
        (lab_pad & -TCOLS)
        | ((lab_pad & (TCOLS // 2 - 1)) << 1)
        | ((lab_pad >> 11) & 1)
    )
    acc = _sc_call(_sc_body)(lab_pad, g)
    out = pl.pallas_call(
        _fin_body,
        out_shape=jax.ShapeDtypeStruct((BATCH, 1), jnp.float32),
    )(acc, fixed, W, b.reshape(1, 1))
    return out


def kernel(label, fixed, table, W, b):
    return _impl(label, fixed, table, W, b)

# --- scband reference (transcript-rebuilt; emitter-appended) ---
"""Pipeline reference for scband-embed-logit-70626442215667 (READ-ONLY COPY).

The authoritative reference and input builder live on the scoring server;
editing this copy changes nothing except your own understanding.
"""

import jax, jax.numpy as jnp
import numpy as np

EMBED_N = 100000
HIDDEN_N = 64
FIXED_N = 26
B = 4096
L = 50


def setup_inputs(seed: int = 0) -> dict:
    key = jax.random.key(seed)
    k1, k2, k3, k4 = jax.random.split(key, 4)
    label = jax.random.randint(k1, (B, L), 0, EMBED_N)
    fixed = jax.random.normal(k2, (B, FIXED_N), dtype=jnp.float32)
    table = jax.random.normal(k3, (EMBED_N, HIDDEN_N), dtype=jnp.float32)
    table = table.at[0].set(0.0)  # padding_idx=0 row initialized to zeros
    bound = 1.0 / np.sqrt(FIXED_N + HIDDEN_N)
    W = jax.random.uniform(k4, (1, FIXED_N + HIDDEN_N), dtype=jnp.float32, minval=-bound, maxval=bound)
    b = jnp.zeros((1,), dtype=jnp.float32)
    return {"label": label, "fixed": fixed, "table": table, "W": W, "b": b}


def reference(label, fixed, table, W, b):
    # Emulate padding_idx=0: row 0 is always zero and receives no gradient.
    mask = jnp.ones((EMBED_N, 1), dtype=table.dtype).at[0].set(0.0)
    table_eff = table * mask
    # Embedding lookup (gather)
    emb = jnp.take(table_eff, label, axis=0)  # [B, L, H]
    # Emulate max_norm=1: renormalize looked-up rows whose L2 norm exceeds 1.
    # Torch performs this as an in-place (non-differentiable) renorm, so stop_gradient on the scale.
    nrm = jnp.linalg.norm(emb, axis=-1, keepdims=True)
    scale = jax.lax.stop_gradient(jnp.where(nrm > 1.0, 1.0 / (nrm + 1e-7), 1.0))
    emb = emb * scale
    # clamp(0) then norm over dim=1 (the sequence dim) -> [B, H]
    embed_weights = jnp.linalg.norm(jnp.maximum(emb, 0.0), axis=1)
    con_weights = jnp.concatenate([fixed, embed_weights], axis=1)  # [B, FIXED_N + H]
    final_pred_lin = con_weights @ W.T + b  # [B, 1]
    return jax.nn.sigmoid(final_pred_lin)

if __name__ == "__main__":
    import jax
    _d = setup_inputs()
    print(jax.jit(kernel)(*tuple(_d.values())))

</pallas_src>

<mosaic_0001>
#map = affine_map<(d0, d1) -> (0, 0)>
module attributes {stable_mosaic.version = 14 : i64} {
  func.func @_sc_body(%arg0: i32, %arg1: i32, %arg2: memref<4096x128xi32, #tpu.memory_space<hbm>>, %arg3: memref<102400x64xf32, #tpu.memory_space<hbm>>, %arg4: memref<4096x64xf32, #tpu.memory_space<hbm>>, %arg5: memref<128x128xi32, #tpu.memory_space<vmem>>, %arg6: memref<8x56x64xf32, #tpu.memory_space<vmem>>, %arg7: memref<128x64xf32, #tpu.memory_space<vmem>>, %arg8: memref<!tpu.dma_semaphore, #tpu.memory_space<semaphore_mem>>) attributes {dimension_semantics = [#tpu.dimension_semantics<core_parallel>, #tpu.dimension_semantics<subcore_parallel>], iteration_bounds = array<i64: 2, 16>, scalar_prefetch = 0 : i64, scratch_operands = 4 : i64, tpu.core_type = #tpu.core_type<sc_vector_subcore>, window_params = [{transform_indices = #map}, {transform_indices = #map}, {transform_indices = #map}]} {
    %mul3A = arith.constant 16 : i32
    %mul3A_0 = arith.muli %arg0, %mul3A : i32
    %add3A = arith.addi %mul3A_0, %arg1 : i32
    %mul3A_1 = arith.constant 128 : i32
    %mul3A_2 = arith.muli %add3A, %mul3A_1 : i32
    "tpu.region"() ({
      %run_scoped3A = tpu.sem_alloc : memref<!tpu.dma_semaphore, #tpu.memory_space<semaphore_mem>>
      %dma_start3A_90 = arith.constant 0 : i32
      %dma_start3A_91 = tpu.memref_slice %arg2[%mul3A_2, %dma_start3A_90] : memref<4096x128xi32, #tpu.memory_space<hbm>> -> memref<128x128xi32, #tpu.memory_space<hbm>>
      %dma_start3A_92 = arith.constant 0 : i32
      %dma_start3A_93 = tpu.memref_slice %arg2[%mul3A_2, %dma_start3A_92] : memref<4096x128xi32, #tpu.memory_space<hbm>> -> memref<128x128xi32, #tpu.memory_space<hbm>>
      tpu.enqueue_dma source(%dma_start3A_93 : memref<128x128xi32, #tpu.memory_space<hbm>>) target(%arg5 : memref<128x128xi32, #tpu.memory_space<vmem>>) target_semaphore(%run_scoped3A : memref<!tpu.dma_semaphore, #tpu.memory_space<semaphore_mem>>)
      %dma_wait3A = arith.constant 0 : i32
      %dma_wait3A_94 = tpu.memref_slice %arg2[%mul3A_2, %dma_wait3A] : memref<4096x128xi32, #tpu.memory_space<hbm>> -> memref<128x128xi32, #tpu.memory_space<hbm>>
      %dma_wait3A_95 = arith.constant 0 : i32
      %dma_wait3A_96 = tpu.memref_slice %arg2[%mul3A_2, %dma_wait3A_95] : memref<4096x128xi32, #tpu.memory_space<hbm>> -> memref<128x128xi32, #tpu.memory_space<hbm>>
      tpu.wait_dma2 semaphore(%run_scoped3A : memref<!tpu.dma_semaphore, #tpu.memory_space<semaphore_mem>>) src(%dma_wait3A_96 : memref<128x128xi32, #tpu.memory_space<hbm>>) dst(%arg5 : memref<128x128xi32, #tpu.memory_space<vmem>>)
      tpu.yield
    }) : () -> ()
    %dma_start3A = arith.constant 0 : i32
    %dma_start3A_3 = arith.constant 0 : i32
    %dma_start3A_4 = arith.constant 0 : i32
    %dma_start3A_5 = arith.constant 0 : i32
    %dma_start3A_6 = tpu.memref_slice %arg6[%dma_start3A_3, %dma_start3A_4, %dma_start3A_5] : memref<8x56x64xf32, #tpu.memory_space<vmem>> -> memref<1x56x64xf32, #tpu.memory_space<vmem>>
    %dma_start3A_7 = tpu.memref_squeeze %dma_start3A_6 : memref<1x56x64xf32, #tpu.memory_space<vmem>> -> memref<56x64xf32, #tpu.memory_space<vmem>>
    %dma_start3A_8 = arith.constant 0 : i32
    %dma_start3A_9 = tpu.memref_slice %arg5[%dma_start3A, %dma_start3A_8] : memref<128x128xi32, #tpu.memory_space<vmem>> -> memref<1x56xi32, #tpu.memory_space<vmem>>
    %dma_start3A_10 = tpu.memref_squeeze %dma_start3A_9 : memref<1x56xi32, #tpu.memory_space<vmem>> -> memref<56xi32, #tpu.memory_space<vmem>>
    %dma_start3A_11 = arith.constant 0 : i32
    %dma_start3A_12 = arith.constant 0 : i32
    %dma_start3A_13 = tpu.memref_slice %arg3[%dma_start3A_11, %dma_start3A_12] : memref<102400x64xf32, #tpu.memory_space<hbm>> -> memref<102400x64xf32, #tpu.memory_space<hbm>>
    tpu.enqueue_indirect_dma source(%dma_start3A_13 : memref<102400x64xf32, #tpu.memory_space<hbm>>) target(%dma_start3A_7 : memref<56x64xf32, #tpu.memory_space<vmem>>) offsets(%dma_start3A_10 : memref<56xi32, #tpu.memory_space<vmem>>) semaphore(%arg8 : memref<!tpu.dma_semaphore, #tpu.memory_space<semaphore_mem>>)
    %dma_start3A_14 = arith.constant 1 : i32
    %dma_start3A_15 = arith.constant 1 : i32
    %dma_start3A_16 = arith.constant 0 : i32
    %dma_start3A_17 = arith.constant 0 : i32
    %dma_start3A_18 = tpu.memref_slice %arg6[%dma_start3A_15, %dma_start3A_16, %dma_start3A_17] : memref<8x56x64xf32, #tpu.memory_space<vmem>> -> memref<1x56x64xf32, #tpu.memory_space<vmem>>
    %dma_start3A_19 = tpu.memref_squeeze %dma_start3A_18 : memref<1x56x64xf32, #tpu.memory_space<vmem>> -> memref<56x64xf32, #tpu.memory_space<vmem>>
    %dma_start3A_20 = arith.constant 0 : i32
    %dma_start3A_21 = tpu.memref_slice %arg5[%dma_start3A_14, %dma_start3A_20] : memref<128x128xi32, #tpu.memory_space<vmem>> -> memref<1x56xi32, #tpu.memory_space<vmem>>
    %dma_start3A_22 = tpu.memref_squeeze %dma_start3A_21 : memref<1x56xi32, #tpu.memory_space<vmem>> -> memref<56xi32, #tpu.memory_space<vmem>>
    %dma_start3A_23 = arith.constant 0 : i32
    %dma_start3A_24 = arith.constant 0 : i32
    %dma_start3A_25 = tpu.memref_slice %arg3[%dma_start3A_23, %dma_start3A_24] : memref<102400x64xf32, #tpu.memory_space<hbm>> -> memref<102400x64xf32, #tpu.memory_space<hbm>>
    tpu.enqueue_indirect_dma source(%dma_start3A_25 : memref<102400x64xf32, #tpu.memory_space<hbm>>) target(%dma_start3A_19 : memref<56x64xf32, #tpu.memory_space<vmem>>) offsets(%dma_start3A_22 : memref<56xi32, #tpu.memory_space<vmem>>) semaphore(%arg8 : memref<!tpu.dma_semaphore, #tpu.memory_space<semaphore_mem>>)
    %dma_start3A_26 = arith.constant 2 : i32
    %dma_start3A_27 = arith.constant 2 : i32
    %dma_start3A_28 = arith.constant 0 : i32
    %dma_start3A_29 = arith.constant 0 : i32
    %dma_start3A_30 = tpu.memref_slice %arg6[%dma_start3A_27, %dma_start3A_28, %dma_start3A_29] : memref<8x56x64xf32, #tpu.memory_space<vmem>> -> memref<1x56x64xf32, #tpu.memory_space<vmem>>
    %dma_start3A_31 = tpu.memref_squeeze %dma_start3A_30 : memref<1x56x64xf32, #tpu.memory_space<vmem>> -> memref<56x64xf32, #tpu.memory_space<vmem>>
    %dma_start3A_32 = arith.constant 0 : i32
    %dma_start3A_33 = tpu.memref_slice %arg5[%dma_start3A_26, %dma_start3A_32] : memref<128x128xi32, #tpu.memory_space<vmem>> -> memref<1x56xi32, #tpu.memory_space<vmem>>
    %dma_start3A_34 = tpu.memref_squeeze %dma_start3A_33 : memref<1x56xi32, #tpu.memory_space<vmem>> -> memref<56xi32, #tpu.memory_space<vmem>>
    %dma_start3A_35 = arith.constant 0 : i32
    %dma_start3A_36 = arith.constant 0 : i32
    %dma_start3A_37 = tpu.memref_slice %arg3[%dma_start3A_35, %dma_start3A_36] : memref<102400x64xf32, #tpu.memory_space<hbm>> -> memref<102400x64xf32, #tpu.memory_space<hbm>>
    tpu.enqueue_indirect_dma source(%dma_start3A_37 : memref<102400x64xf32, #tpu.memory_space<hbm>>) target(%dma_start3A_31 : memref<56x64xf32, #tpu.memory_space<vmem>>) offsets(%dma_start3A_34 : memref<56xi32, #tpu.memory_space<vmem>>) semaphore(%arg8 : memref<!tpu.dma_semaphore, #tpu.memory_space<semaphore_mem>>)
    %dma_start3A_38 = arith.constant 3 : i32
    %dma_start3A_39 = arith.constant 3 : i32
    %dma_start3A_40 = arith.constant 0 : i32
    %dma_start3A_41 = arith.constant 0 : i32
    %dma_start3A_42 = tpu.memref_slice %arg6[%dma_start3A_39, %dma_start3A_40, %dma_start3A_41] : memref<8x56x64xf32, #tpu.memory_space<vmem>> -> memref<1x56x64xf32, #tpu.memory_space<vmem>>
    %dma_start3A_43 = tpu.memref_squeeze %dma_start3A_42 : memref<1x56x64xf32, #tpu.memory_space<vmem>> -> memref<56x64xf32, #tpu.memory_space<vmem>>
    %dma_start3A_44 = arith.constant 0 : i32
    %dma_start3A_45 = tpu.memref_slice %arg5[%dma_start3A_38, %dma_start3A_44] : memref<128x128xi32, #tpu.memory_space<vmem>> -> memref<1x56xi32, #tpu.memory_space<vmem>>
    %dma_start3A_46 = tpu.memref_squeeze %dma_start3A_45 : memref<1x56xi32, #tpu.memory_space<vmem>> -> memref<56xi32, #tpu.memory_space<vmem>>
    %dma_start3A_47 = arith.constant 0 : i32
    %dma_start3A_48 = arith.constant 0 : i32
    %dma_start3A_49 = tpu.memref_slice %arg3[%dma_start3A_47, %dma_start3A_48] : memref<102400x64xf32, #tpu.memory_space<hbm>> -> memref<102400x64xf32, #tpu.memory_space<hbm>>
    tpu.enqueue_indirect_dma source(%dma_start3A_49 : memref<102400x64xf32, #tpu.memory_space<hbm>>) target(%dma_start3A_43 : memref<56x64xf32, #tpu.memory_space<vmem>>) offsets(%dma_start3A_46 : memref<56xi32, #tpu.memory_space<vmem>>) semaphore(%arg8 : memref<!tpu.dma_semaphore, #tpu.memory_space<semaphore_mem>>)
    %dma_start3A_50 = arith.constant 4 : i32
    %dma_start3A_51 = arith.constant 4 : i32
    %dma_start3A_52 = arith.constant 0 : i32
    %dma_start3A_53 = arith.constant 0 : i32
    %dma_start3A_54 = tpu.memref_slice %arg6[%dma_start3A_51, %dma_start3A_52, %dma_start3A_53] : memref<8x56x64xf32, #tpu.memory_space<vmem>> -> memref<1x56x64xf32, #tpu.memory_space<vmem>>
    %dma_start3A_55 = tpu.memref_squeeze %dma_start3A_54 : memref<1x56x64xf32, #tpu.memory_space<vmem>> -> memref<56x64xf32, #tpu.memory_space<vmem>>
    %dma_start3A_56 = arith.constant 0 : i32
    %dma_start3A_57 = tpu.memref_slice %arg5[%dma_start3A_50, %dma_start3A_56] : memref<128x128xi32, #tpu.memory_space<vmem>> -> memref<1x56xi32, #tpu.memory_space<vmem>>
    %dma_start3A_58 = tpu.memref_squeeze %dma_start3A_57 : memref<1x56xi32, #tpu.memory_space<vmem>> -> memref<56xi32, #tpu.memory_space<vmem>>
    %dma_start3A_59 = arith.constant 0 : i32
    %dma_start3A_60 = arith.constant 0 : i32
    %dma_start3A_61 = tpu.memref_slice %arg3[%dma_start3A_59, %dma_start3A_60] : memref<102400x64xf32, #tpu.memory_space<hbm>> -> memref<102400x64xf32, #tpu.memory_space<hbm>>
    tpu.enqueue_indirect_dma source(%dma_start3A_61 : memref<102400x64xf32, #tpu.memory_space<hbm>>) target(%dma_start3A_55 : memref<56x64xf32, #tpu.memory_space<vmem>>) offsets(%dma_start3A_58 : memref<56xi32, #tpu.memory_space<vmem>>) semaphore(%arg8 : memref<!tpu.dma_semaphore, #tpu.memory_space<semaphore_mem>>)
    %dma_start3A_62 = arith.constant 5 : i32
    %dma_start3A_63 = arith.constant 5 : i32
    %dma_start3A_64 = arith.constant 0 : i32
    %dma_start3A_65 = arith.constant 0 : i32
    %dma_start3A_66 = tpu.memref_slice %arg6[%dma_start3A_63, %dma_start3A_64, %dma_start3A_65] : memref<8x56x64xf32, #tpu.memory_space<vmem>> -> memref<1x56x64xf32, #tpu.memory_space<vmem>>
    %dma_start3A_67 = tpu.memref_squeeze %dma_start3A_66 : memref<1x56x64xf32, #tpu.memory_space<vmem>> -> memref<56x64xf32, #tpu.memory_space<vmem>>
    %dma_start3A_68 = arith.constant 0 : i32
    %dma_start3A_69 = tpu.memref_slice %arg5[%dma_start3A_62, %dma_start3A_68] : memref<128x128xi32, #tpu.memory_space<vmem>> -> memref<1x56xi32, #tpu.memory_space<vmem>>
    %dma_start3A_70 = tpu.memref_squeeze %dma_start3A_69 : memref<1x56xi32, #tpu.memory_space<vmem>> -> memref<56xi32, #tpu.memory_space<vmem>>
    %dma_start3A_71 = arith.constant 0 : i32
    %dma_start3A_72 = arith.constant 0 : i32
    %dma_start3A_73 = tpu.memref_slice %arg3[%dma_start3A_71, %dma_start3A_72] : memref<102400x64xf32, #tpu.memory_space<hbm>> -> memref<102400x64xf32, #tpu.memory_space<hbm>>
    tpu.enqueue_indirect_dma source(%dma_start3A_73 : memref<102400x64xf32, #tpu.memory_space<hbm>>) target(%dma_start3A_67 : memref<56x64xf32, #tpu.memory_space<vmem>>) offsets(%dma_start3A_70 : memref<56xi32, #tpu.memory_space<vmem>>) semaphore(%arg8 : memref<!tpu.dma_semaphore, #tpu.memory_space<semaphore_mem>>)
    %dma_start3A_74 = arith.constant 6 : i32
    %dma_start3A_75 = arith.constant 6 : i32
    %dma_start3A_76 = arith.constant 0 : i32
    %dma_start3A_77 = arith.constant 0 : i32
    %dma_start3A_78 = tpu.memref_slice %arg6[%dma_start3A_75, %dma_start3A_76, %dma_start3A_77] : memref<8x56x64xf32, #tpu.memory_space<vmem>> -> memref<1x56x64xf32, #tpu.memory_space<vmem>>
    %dma_start3A_79 = tpu.memref_squeeze %dma_start3A_78 : memref<1x56x64xf32, #tpu.memory_space<vmem>> -> memref<56x64xf32, #tpu.memory_space<vmem>>
    %dma_start3A_80 = arith.constant 0 : i32
    %dma_start3A_81 = tpu.memref_slice %arg5[%dma_start3A_74, %dma_start3A_80] : memref<128x128xi32, #tpu.memory_space<vmem>> -> memref<1x56xi32, #tpu.memory_space<vmem>>
    %dma_start3A_82 = tpu.memref_squeeze %dma_start3A_81 : memref<1x56xi32, #tpu.memory_space<vmem>> -> memref<56xi32, #tpu.memory_space<vmem>>
    %dma_start3A_83 = arith.constant 0 : i32
    %dma_start3A_84 = arith.constant 0 : i32
    %dma_start3A_85 = tpu.memref_slice %arg3[%dma_start3A_83, %dma_start3A_84] : memref<102400x64xf32, #tpu.memory_space<hbm>> -> memref<102400x64xf32, #tpu.memory_space<hbm>>
    tpu.enqueue_indirect_dma source(%dma_start3A_85 : memref<102400x64xf32, #tpu.memory_space<hbm>>) target(%dma_start3A_79 : memref<56x64xf32, #tpu.memory_space<vmem>>) offsets(%dma_start3A_82 : memref<56xi32, #tpu.memory_space<vmem>>) semaphore(%arg8 : memref<!tpu.dma_semaphore, #tpu.memory_space<semaphore_mem>>)
    %scan3A = arith.constant 0 : i32
    %scan3A_86 = arith.constant 128 : i32
    %scan3A_87 = arith.addi %scan3A, %scan3A_86 : i32
    %scan3A_88 = arith.constant 1 : i32
    scf.for %scan3A_90 = %scan3A to %scan3A_87 step %scan3A_88  : i32 {
      %mul3A_91 = arith.constant 1 : i32
      %mul3A_92 = arith.muli %scan3A_90, %mul3A_91 : i32
      %add3A_93 = arith.constant 0 : i32
      %add3A_94 = arith.addi %add3A_93, %mul3A_92 : i32
      %add3A_95 = arith.constant 8 : i32
      %add3A_96 = arith.addi %add3A_94, %add3A_95 : i32
      %sub3A = arith.constant 1 : i32
      %sub3A_97 = arith.subi %add3A_96, %sub3A : i32
      %lt3A = arith.constant 128 : i32
      %lt3A_98 = arith.cmpi slt, %sub3A_97, %lt3A : i32
      %convert_element_type3A = arith.extui %lt3A_98 : i1 to i32
      %cond3A = arith.constant 0 : i32
      %cond3A_99 = arith.cmpi ne, %convert_element_type3A, %cond3A : i32
      scf.if %cond3A_99 {
        %add3A_1544 = arith.constant 8 : i32
        %add3A_1545 = arith.addi %add3A_94, %add3A_1544 : i32
        %sub3A_1546 = arith.constant 1 : i32
        %sub3A_1547 = arith.subi %add3A_1545, %sub3A_1546 : i32
        %jit3A_1548 = arith.constant 8 : i32
        %eq3A_1549 = arith.constant 0 : i32
        %eq3A_1550 = arith.cmpi eq, %jit3A_1548, %eq3A_1549 : i32
        %jit3A_1551 = arith.constant 1 : i32
        %select_n3A_1552 = arith.select %eq3A_1550, %jit3A_1551, %jit3A_1548 : i32
        %rem3A_1553 = arith.remsi %sub3A_1547, %select_n3A_1552 : i32
        %ne3A_1554 = arith.constant 0 : i32
        %ne3A_1555 = arith.cmpi ne, %rem3A_1553, %ne3A_1554 : i32
        %lt3A_1556 = arith.constant 0 : i32
        %lt3A_1557 = arith.cmpi slt, %rem3A_1553, %lt3A_1556 : i32
        %lt3A_1558 = arith.constant 0 : i32
        %lt3A_1559 = arith.cmpi slt, %select_n3A_1552, %lt3A_1558 : i32
        %ne3A_1560 = arith.xori %lt3A_1557, %lt3A_1559 : i1
        %and3A_1561 = arith.andi %ne3A_1560, %ne3A_1555 : i1
        %add3A_1562 = arith.addi %rem3A_1553, %select_n3A_1552 : i32
        %select_n3A_1563 = arith.select %and3A_1561, %add3A_1562, %rem3A_1553 : i32
        %dma_start3A_1564 = arith.constant 0 : i32
        %dma_start3A_1565 = arith.constant 0 : i32
        %dma_start3A_1566 = tpu.memref_slice %arg6[%select_n3A_1563, %dma_start3A_1564, %dma_start3A_1565] : memref<8x56x64xf32, #tpu.memory_space<vmem>> -> memref<1x56x64xf32, #tpu.memory_space<vmem>>
        %dma_start3A_1567 = tpu.memref_squeeze %dma_start3A_1566 : memref<1x56x64xf32, #tpu.memory_space<vmem>> -> memref<56x64xf32, #tpu.memory_space<vmem>>
        %dma_start3A_1568 = arith.constant 0 : i32
        %dma_start3A_1569 = tpu.memref_slice %arg5[%sub3A_1547, %dma_start3A_1568] : memref<128x128xi32, #tpu.memory_space<vmem>> -> memref<1x56xi32, #tpu.memory_space<vmem>>
        %dma_start3A_1570 = tpu.memref_squeeze %dma_start3A_1569 : memref<1x56xi32, #tpu.memory_space<vmem>> -> memref<56xi32, #tpu.memory_space<vmem>>
        %dma_start3A_1571 = arith.constant 0 : i32
        %dma_start3A_1572 = arith.constant 0 : i32
        %dma_start3A_1573 = tpu.memref_slice %arg3[%dma_start3A_1571, %dma_start3A_1572] : memref<102400x64xf32, #tpu.memory_space<hbm>> -> memref<102400x64xf32, #tpu.memory_space<hbm>>
        tpu.enqueue_indirect_dma source(%dma_start3A_1573 : memref<102400x64xf32, #tpu.memory_space<hbm>>) target(%dma_start3A_1567 : memref<56x64xf32, #tpu.memory_space<vmem>>) offsets(%dma_start3A_1570 : memref<56xi32, #tpu.memory_space<vmem>>) semaphore(%arg8 : memref<!tpu.dma_semaphore, #tpu.memory_space<semaphore_mem>>)
      } else {
      }
      %jit3A = arith.constant 8 : i32
      %eq3A = arith.constant 0 : i32
      %eq3A_100 = arith.cmpi eq, %jit3A, %eq3A : i32
      %jit3A_101 = arith.constant 1 : i32
      %select_n3A = arith.select %eq3A_100, %jit3A_101, %jit3A : i32
      %rem3A = arith.remsi %add3A_94, %select_n3A : i32
      %ne3A = arith.constant 0 : i32
      %ne3A_102 = arith.cmpi ne, %rem3A, %ne3A : i32
      %lt3A_103 = arith.constant 0 : i32
      %lt3A_104 = arith.cmpi slt, %rem3A, %lt3A_103 : i32
      %lt3A_105 = arith.constant 0 : i32
      %lt3A_106 = arith.cmpi slt, %select_n3A, %lt3A_105 : i32
      %ne3A_107 = arith.xori %lt3A_104, %lt3A_106 : i1
      %and3A = arith.andi %ne3A_107, %ne3A_102 : i1
      %add3A_108 = arith.addi %rem3A, %select_n3A : i32
      %select_n3A_109 = arith.select %and3A, %add3A_108, %rem3A : i32
      %dma_wait3A = arith.constant 0 : i32
      %dma_wait3A_110 = arith.constant 0 : i32
      %dma_wait3A_111 = tpu.memref_slice %arg6[%select_n3A_109, %dma_wait3A, %dma_wait3A_110] : memref<8x56x64xf32, #tpu.memory_space<vmem>> -> memref<1x56x64xf32, #tpu.memory_space<vmem>>
      %dma_wait3A_112 = tpu.memref_squeeze %dma_wait3A_111 : memref<1x56x64xf32, #tpu.memory_space<vmem>> -> memref<56x64xf32, #tpu.memory_space<vmem>>
      %dma_wait3A_113 = arith.constant 0 : i32
      %dma_wait3A_114 = tpu.memref_slice %arg5[%add3A_94, %dma_wait3A_113] : memref<128x128xi32, #tpu.memory_space<vmem>> -> memref<1x56xi32, #tpu.memory_space<vmem>>
      %dma_wait3A_115 = tpu.memref_squeeze %dma_wait3A_114 : memref<1x56xi32, #tpu.memory_space<vmem>> -> memref<56xi32, #tpu.memory_space<vmem>>
      %dma_wait3A_116 = arith.constant 0 : i32
      %dma_wait3A_117 = arith.constant 0 : i32
      %dma_wait3A_118 = tpu.memref_slice %arg3[%dma_wait3A_116, %dma_wait3A_117] : memref<102400x64xf32, #tpu.memory_space<hbm>> -> memref<102400x64xf32, #tpu.memory_space<hbm>>
      tpu.wait_indirect_dma semaphore(%arg8 : memref<!tpu.dma_semaphore, #tpu.memory_space<semaphore_mem>>) src(%dma_wait3A_118 : memref<102400x64xf32, #tpu.memory_space<hbm>>) dst(%dma_wait3A_112 : memref<56x64xf32, #tpu.memory_space<vmem>>)
      %broadcast_in_dim3A = arith.constant 0.000000e+00 : f32
      %broadcast_in_dim3A_119 = vector.broadcast %broadcast_in_dim3A : f32 to vector<16xf32>
      %broadcast_in_dim3A_120 = arith.constant 0.000000e+00 : f32
      %broadcast_in_dim3A_121 = vector.broadcast %broadcast_in_dim3A_120 : f32 to vector<16xf32>
      %broadcast_in_dim3A_122 = arith.constant 0.000000e+00 : f32
      %broadcast_in_dim3A_123 = vector.broadcast %broadcast_in_dim3A_122 : f32 to vector<16xf32>
      %broadcast_in_dim3A_124 = arith.constant 0.000000e+00 : f32
      %broadcast_in_dim3A_125 = vector.broadcast %broadcast_in_dim3A_124 : f32 to vector<16xf32>
      %get3A = arith.constant 0 : i32
      %get3A_126 = arith.index_cast %select_n3A_109 : i32 to index
      %get3A_127 = arith.index_cast %get3A : i32 to index
      %get3A_128 = arith.constant 0 : index
      %get3A_129 = tpu.vector_load %arg6[%get3A_126, %get3A_127, %get3A_128] {strides = array<i32>} : memref<8x56x64xf32, #tpu.memory_space<vmem>>, vector<1x1x16xf32>,
      %get3A_130 = vector.shape_cast %get3A_129 : vector<1x1x16xf32> to vector<16xf32>
      %add3A_131 = arith.addf %broadcast_in_dim3A_119, %get3A_130 : vector<16xf32>
      %get3A_132 = arith.constant 0 : i32
      %get3A_133 = arith.index_cast %select_n3A_109 : i32 to index
      %get3A_134 = arith.index_cast %get3A_132 : i32 to index
      %get3A_135 = arith.constant 16 : index
      %get3A_136 = tpu.vector_load %arg6[%get3A_133, %get3A_134, %get3A_135] {strides = array<i32>} : memref<8x56x64xf32, #tpu.memory_space<vmem>>, vector<1x1x16xf32>,
      %get3A_137 = vector.shape_cast %get3A_136 : vector<1x1x16xf32> to vector<16xf32>
      %add3A_138 = arith.addf %broadcast_in_dim3A_121, %get3A_137 : vector<16xf32>
      %get3A_139 = arith.constant 0 : i32
      %get3A_140 = arith.index_cast %select_n3A_109 : i32 to index
      %get3A_141 = arith.index_cast %get3A_139 : i32 to index
      %get3A_142 = arith.constant 32 : index
      %get3A_143 = tpu.vector_load %arg6[%get3A_140, %get3A_141, %get3A_142] {strides = array<i32>} : memref<8x56x64xf32, #tpu.memory_space<vmem>>, vector<1x1x16xf32>,
      %get3A_144 = vector.shape_cast %get3A_143 : vector<1x1x16xf32> to vector<16xf32>
      %add3A_145 = arith.addf %broadcast_in_dim3A_123, %get3A_144 : vector<16xf32>
      %get3A_146 = arith.constant 0 : i32
      %get3A_147 = arith.index_cast %select_n3A_109 : i32 to index
      %get3A_148 = arith.index_cast %get3A_146 : i32 to index
      %get3A_149 = arith.constant 48 : index
      %get3A_150 = tpu.vector_load %arg6[%get3A_147, %get3A_148, %get3A_149] {strides = array<i32>} : memref<8x56x64xf32, #tpu.memory_space<vmem>>, vector<1x1x16xf32>,
      %get3A_151 = vector.shape_cast %get3A_150 : vector<1x1x16xf32> to vector<16xf32>
      %add3A_152 = arith.addf %broadcast_in_dim3A_125, %get3A_151 : vector<16xf32>
      %get3A_153 = arith.constant 1 : i32
      %get3A_154 = arith.index_cast %select_n3A_109 : i32 to index
      %get3A_155 = arith.index_cast %get3A_153 : i32 to index
      %get3A_156 = arith.constant 0 : index
      %get3A_157 = tpu.vector_load %arg6[%get3A_154, %get3A_155, %get3A_156] {strides = array<i32>} : memref<8x56x64xf32, #tpu.memory_space<vmem>>, vector<1x1x16xf32>,
      %get3A_158 = vector.shape_cast %get3A_157 : vector<1x1x16xf32> to vector<16xf32>
      %add3A_159 = arith.addf %add3A_131, %get3A_158 : vector<16xf32>
      %get3A_160 = arith.constant 1 : i32
      %get3A_161 = arith.index_cast %select_n3A_109 : i32 to index
      %get3A_162 = arith.index_cast %get3A_160 : i32 to index
      %get3A_163 = arith.constant 16 : index
      %get3A_164 = tpu.vector_load %arg6[%get3A_161, %get3A_162, %get3A_163] {strides = array<i32>} : memref<8x56x64xf32, #tpu.memory_space<vmem>>, vector<1x1x16xf32>,
      %get3A_165 = vector.shape_cast %get3A_164 : vector<1x1x16xf32> to vector<16xf32>
      %add3A_166 = arith.addf %add3A_138, %get3A_165 : vector<16xf32>
      %get3A_167 = arith.constant 1 : i32
      %get3A_168 = arith.index_cast %select_n3A_109 : i32 to index
      %get3A_169 = arith.index_cast %get3A_167 : i32 to index
      %get3A_170 = arith.constant 32 : index
      %get3A_171 = tpu.vector_load %arg6[%get3A_168, %get3A_169, %get3A_170] {strides = array<i32>} : memref<8x56x64xf32, #tpu.memory_space<vmem>>, vector<1x1x16xf32>,
      %get3A_172 = vector.shape_cast %get3A_171 : vector<1x1x16xf32> to vector<16xf32>
      %add3A_173 = arith.addf %add3A_145, %get3A_172 : vector<16xf32>
      %get3A_174 = arith.constant 1 : i32
      %get3A_175 = arith.index_cast %select_n3A_109 : i32 to index
      %get3A_176 = arith.index_cast %get3A_174 : i32 to index
      %get3A_177 = arith.constant 48 : index
      %get3A_178 = tpu.vector_load %arg6[%get3A_175, %get3A_176, %get3A_177] {strides = array<i32>} : memref<8x56x64xf32, #tpu.memory_space<vmem>>, vector<1x1x16xf32>,
      %get3A_179 = vector.shape_cast %get3A_178 : vector<1x1x16xf32> to vector<16xf32>
      %add3A_180 = arith.addf %add3A_152, %get3A_179 : vector<16xf32>
      %get3A_181 = arith.constant 2 : i32
      %get3A_182 = arith.index_cast %select_n3A_109 : i32 to index
      %get3A_183 = arith.index_cast %get3A_181 : i32 to index
      %get3A_184 = arith.constant 0 : index
      %get3A_185 = tpu.vector_load %arg6[%get3A_182, %get3A_183, %get3A_184] {strides = array<i32>} : memref<8x56x64xf32, #tpu.memory_space<vmem>>, vector<1x1x16xf32>,
      %get3A_186 = vector.shape_cast %get3A_185 : vector<1x1x16xf32> to vector<16xf32>
      %add3A_187 = arith.addf %add3A_159, %get3A_186 : vector<16xf32>
      %get3A_188 = arith.constant 2 : i32
      %get3A_189 = arith.index_cast %select_n3A_109 : i32 to index
      %get3A_190 = arith.index_cast %get3A_188 : i32 to index
      %get3A_191 = arith.constant 16 : index
      %get3A_192 = tpu.vector_load %arg6[%get3A_189, %get3A_190, %get3A_191] {strides = array<i32>} : memref<8x56x64xf32, #tpu.memory_space<vmem>>, vector<1x1x16xf32>,
      %get3A_193 = vector.shape_cast %get3A_192 : vector<1x1x16xf32> to vector<16xf32>
      %add3A_194 = arith.addf %add3A_166, %get3A_193 : vector<16xf32>
      %get3A_195 = arith.constant 2 : i32
      %get3A_196 = arith.index_cast %select_n3A_109 : i32 to index
      %get3A_197 = arith.index_cast %get3A_195 : i32 to index
      %get3A_198 = arith.constant 32 : index
      %get3A_199 = tpu.vector_load %arg6[%get3A_196, %get3A_197, %get3A_198] {strides = array<i32>} : memref<8x56x64xf32, #tpu.memory_space<vmem>>, vector<1x1x16xf32>,
      %get3A_200 = vector.shape_cast %get3A_199 : vector<1x1x16xf32> to vector<16xf32>
      %add3A_201 = arith.addf %add3A_173, %get3A_200 : vector<16xf32>
      %get3A_202 = arith.constant 2 : i32
      %get3A_203 = arith.index_cast %select_n3A_109 : i32 to index
      %get3A_204 = arith.index_cast %get3A_202 : i32 to index
      %get3A_205 = arith.constant 48 : index
      %get3A_206 = tpu.vector_load %arg6[%get3A_203, %get3A_204, %get3A_205] {strides = array<i32>} : memref<8x56x64xf32, #tpu.memory_space<vmem>>, vector<1x1x16xf32>,
      %get3A_207 = vector.shape_cast %get3A_206 : vector<1x1x16xf32> to vector<16xf32>
      %add3A_208 = arith.addf %add3A_180, %get3A_207 : vector<16xf32>
      %get3A_209 = arith.constant 3 : i32
      %get3A_210 = arith.index_cast %select_n3A_109 : i32 to index
      %get3A_211 = arith.index_cast %get3A_209 : i32 to index
      %get3A_212 = arith.constant 0 : index
      %get3A_213 = tpu.vector_load %arg6[%get3A_210, %get3A_211, %get3A_212] {strides = array<i32>} : memref<8x56x64xf32, #tpu.memory_space<vmem>>, vector<1x1x16xf32>,
      %get3A_214 = vector.shape_cast %get3A_213 : vector<1x1x16xf32> to vector<16xf32>
      %add3A_215 = arith.addf %add3A_187, %get3A_214 : vector<16xf32>
      %get3A_216 = arith.constant 3 : i32
      %get3A_217 = arith.index_cast %select_n3A_109 : i32 to index
      %get3A_218 = arith.index_cast %get3A_216 : i32 to index
      %get3A_219 = arith.constant 16 : index
      %get3A_220 = tpu.vector_load %arg6[%get3A_217, %get3A_218, %get3A_219] {strides = array<i32>} : memref<8x56x64xf32, #tpu.memory_space<vmem>>, vector<1x1x16xf32>,
      %get3A_221 = vector.shape_cast %get3A_220 : vector<1x1x16xf32> to vector<16xf32>
      %add3A_222 = arith.addf %add3A_194, %get3A_221 : vector<16xf32>
      %get3A_223 = arith.constant 3 : i32
      %get3A_224 = arith.index_cast %select_n3A_109 : i32 to index
      %get3A_225 = arith.index_cast %get3A_223 : i32 to index
      %get3A_226 = arith.constant 32 : index
      %get3A_227 = tpu.vector_load %arg6[%get3A_224, %get3A_225, %get3A_226] {strides = array<i32>} : memref<8x56x64xf32, #tpu.memory_space<vmem>>, vector<1x1x16xf32>,
      %get3A_228 = vector.shape_cast %get3A_227 : vector<1x1x16xf32> to vector<16xf32>
      %add3A_229 = arith.addf %add3A_201, %get3A_228 : vector<16xf32>
      %get3A_230 = arith.constant 3 : i32
      %get3A_231 = arith.index_cast %select_n3A_109 : i32 to index
      %get3A_232 = arith.index_cast %get3A_230 : i32 to index
      %get3A_233 = arith.constant 48 : index
      %get3A_234 = tpu.vector_load %arg6[%get3A_231, %get3A_232, %get3A_233] {strides = array<i32>} : memref<8x56x64xf32, #tpu.memory_space<vmem>>, vector<1x1x16xf32>,
      %get3A_235 = vector.shape_cast %get3A_234 : vector<1x1x16xf32> to vector<16xf32>
      %add3A_236 = arith.addf %add3A_208, %get3A_235 : vector<16xf32>
      %get3A_237 = arith.constant 4 : i32
      %get3A_238 = arith.index_cast %select_n3A_109 : i32 to index
      %get3A_239 = arith.index_cast %get3A_237 : i32 to index
      %get3A_240 = arith.constant 0 : index
      %get3A_241 = tpu.vector_load %arg6[%get3A_238, %get3A_239, %get3A_240] {strides = array<i32>} : memref<8x56x64xf32, #tpu.memory_space<vmem>>, vector<1x1x16xf32>,
      %get3A_242 = vector.shape_cast %get3A_241 : vector<1x1x16xf32> to vector<16xf32>
      %add3A_243 = arith.addf %add3A_215, %get3A_242 : vector<16xf32>
      %get3A_244 = arith.constant 4 : i32
      %get3A_245 = arith.index_cast %select_n3A_109 : i32 to index
      %get3A_246 = arith.index_cast %get3A_244 : i32 to index
      %get3A_247 = arith.constant 16 : index
      %get3A_248 = tpu.vector_load %arg6[%get3A_245, %get3A_246, %get3A_247] {strides = array<i32>} : memref<8x56x64xf32, #tpu.memory_space<vmem>>, vector<1x1x16xf32>,
      %get3A_249 = vector.shape_cast %get3A_248 : vector<1x1x16xf32> to vector<16xf32>
      %add3A_250 = arith.addf %add3A_222, %get3A_249 : vector<16xf32>
      %get3A_251 = arith.constant 4 : i32
      %get3A_252 = arith.index_cast %select_n3A_109 : i32 to index
      %get3A_253 = arith.index_cast %get3A_251 : i32 to index
      %get3A_254 = arith.constant 32 : index
      %get3A_255 = tpu.vector_load %arg6[%get3A_252, %get3A_253, %get3A_254] {strides = array<i32>} : memref<8x56x64xf32, #tpu.memory_space<vmem>>, vector<1x1x16xf32>,
      %get3A_256 = vector.shape_cast %get3A_255 : vector<1x1x16xf32> to vector<16xf32>
      %add3A_257 = arith.addf %add3A_229, %get3A_256 : vector<16xf32>
      %get3A_258 = arith.constant 4 : i32
      %get3A_259 = arith.index_cast %select_n3A_109 : i32 to index
      %get3A_260 = arith.index_cast %get3A_258 : i32 to index
      %get3A_261 = arith.constant 48 : index
      %get3A_262 = tpu.vector_load %arg6[%get3A_259, %get3A_260, %get3A_261] {strides = array<i32>} : memref<8x56x64xf32, #tpu.memory_space<vmem>>, vector<1x1x16xf32>,
      %get3A_263 = vector.shape_cast %get3A_262 : vector<1x1x16xf32> to vector<16xf32>
      %add3A_264 = arith.addf %add3A_236, %get3A_263 : vector<16xf32>
      %get3A_265 = arith.constant 5 : i32
      %get3A_266 = arith.index_cast %select_n3A_109 : i32 to index
      %get3A_267 = arith.index_cast %get3A_265 : i32 to index
      %get3A_268 = arith.constant 0 : index
      %get3A_269 = tpu.vector_load %arg6[%get3A_266, %get3A_267, %get3A_268] {strides = array<i32>} : memref<8x56x64xf32, #tpu.memory_space<vmem>>, vector<1x1x16xf32>,
      %get3A_270 = vector.shape_cast %get3A_269 : vector<1x1x16xf32> to vector<16xf32>
      %add3A_271 = arith.addf %add3A_243, %get3A_270 : vector<16xf32>
      %get3A_272 = arith.constant 5 : i32
      %get3A_273 = arith.index_cast %select_n3A_109 : i32 to index
      %get3A_274 = arith.index_cast %get3A_272 : i32 to index
      %get3A_275 = arith.constant 16 : index
      %get3A_276 = tpu.vector_load %arg6[%get3A_273, %get3A_274, %get3A_275] {strides = array<i32>} : memref<8x56x64xf32, #tpu.memory_space<vmem>>, vector<1x1x16xf32>,
      %get3A_277 = vector.shape_cast %get3A_276 : vector<1x1x16xf32> to vector<16xf32>
      %add3A_278 = arith.addf %add3A_250, %get3A_277 : vector<16xf32>
      %get3A_279 = arith.constant 5 : i32
      %get3A_280 = arith.index_cast %select_n3A_109 : i32 to index
      %get3A_281 = arith.index_cast %get3A_279 : i32 to index
      %get3A_282 = arith.constant 32 : index
      %get3A_283 = tpu.vector_load %arg6[%get3A_280, %get3A_281, %get3A_282] {strides = array<i32>} : memref<8x56x64xf32, #tpu.memory_space<vmem>>, vector<1x1x16xf32>,
      %get3A_284 = vector.shape_cast %get3A_283 : vector<1x1x16xf32> to vector<16xf32>
      %add3A_285 = arith.addf %add3A_257, %get3A_284 : vector<16xf32>
      %get3A_286 = arith.constant 5 : i32
      %get3A_287 = arith.index_cast %select_n3A_109 : i32 to index
      %get3A_288 = arith.index_cast %get3A_286 : i32 to index
      %get3A_289 = arith.constant 48 : index
      %get3A_290 = tpu.vector_load %arg6[%get3A_287, %get3A_288, %get3A_289] {strides = array<i32>} : memref<8x56x64xf32, #tpu.memory_space<vmem>>, vector<1x1x16xf32>,
      %get3A_291 = vector.shape_cast %get3A_290 : vector<1x1x16xf32> to vector<16xf32>
      %add3A_292 = arith.addf %add3A_264, %get3A_291 : vector<16xf32>
      %get3A_293 = arith.constant 6 : i32
      %get3A_294 = arith.index_cast %select_n3A_109 : i32 to index
      %get3A_295 = arith.index_cast %get3A_293 : i32 to index
      %get3A_296 = arith.constant 0 : index
      %get3A_297 = tpu.vector_load %arg6[%get3A_294, %get3A_295, %get3A_296] {strides = array<i32>} : memref<8x56x64xf32, #tpu.memory_space<vmem>>, vector<1x1x16xf32>,
      %get3A_298 = vector.shape_cast %get3A_297 : vector<1x1x16xf32> to vector<16xf32>
      %add3A_299 = arith.addf %add3A_271, %get3A_298 : vector<16xf32>
      %get3A_300 = arith.constant 6 : i32
      %get3A_301 = arith.index_cast %select_n3A_109 : i32 to index
      %get3A_302 = arith.index_cast %get3A_300 : i32 to index
      %get3A_303 = arith.constant 16 : index
      %get3A_304 = tpu.vector_load %arg6[%get3A_301, %get3A_302, %get3A_303] {strides = array<i32>} : memref<8x56x64xf32, #tpu.memory_space<vmem>>, vector<1x1x16xf32>,
      %get3A_305 = vector.shape_cast %get3A_304 : vector<1x1x16xf32> to vector<16xf32>
      %add3A_306 = arith.addf %add3A_278, %get3A_305 : vector<16xf32>
      %get3A_307 = arith.constant 6 : i32
      %get3A_308 = arith.index_cast %select_n3A_109 : i32 to index
      %get3A_309 = arith.index_cast %get3A_307 : i32 to index
      %get3A_310 = arith.constant 32 : index
      %get3A_311 = tpu.vector_load %arg6[%get3A_308, %get3A_309, %get3A_310] {strides = array<i32>} : memref<8x56x64xf32, #tpu.memory_space<vmem>>, vector<1x1x16xf32>,
      %get3A_312 = vector.shape_cast %get3A_311 : vector<1x1x16xf32> to vector<16xf32>
      %add3A_313 = arith.addf %add3A_285, %get3A_312 : vector<16xf32>
      %get3A_314 = arith.constant 6 : i32
      %get3A_315 = arith.index_cast %select_n3A_109 : i32 to index
      %get3A_316 = arith.index_cast %get3A_314 : i32 to index
      %get3A_317 = arith.constant 48 : index
      %get3A_318 = tpu.vector_load %arg6[%get3A_315, %get3A_316, %get3A_317] {strides = array<i32>} : memref<8x56x64xf32, #tpu.memory_space<vmem>>, vector<1x1x16xf32>,
      %get3A_319 = vector.shape_cast %get3A_318 : vector<1x1x16xf32> to vector<16xf32>
      %add3A_320 = arith.addf %add3A_292, %get3A_319 : vector<16xf32>
      %get3A_321 = arith.constant 7 : i32
      %get3A_322 = arith.index_cast %select_n3A_109 : i32 to index
      %get3A_323 = arith.index_cast %get3A_321 : i32 to index
      %get3A_324 = arith.constant 0 : index
      %get3A_325 = tpu.vector_load %arg6[%get3A_322, %get3A_323, %get3A_324] {strides = array<i32>} : memref<8x56x64xf32, #tpu.memory_space<vmem>>, vector<1x1x16xf32>,
      %get3A_326 = vector.shape_cast %get3A_325 : vector<1x1x16xf32> to vector<16xf32>
      %add3A_327 = arith.addf %add3A_299, %get3A_326 : vector<16xf32>
      %get3A_328 = arith.constant 7 : i32
      %get3A_329 = arith.index_cast %select_n3A_109 : i32 to index
      %get3A_330 = arith.index_cast %get3A_328 : i32 to index
      %get3A_331 = arith.constant 16 : index
      %get3A_332 = tpu.vector_load %arg6[%get3A_329, %get3A_330, %get3A_331] {strides = array<i32>} : memref<8x56x64xf32, #tpu.memory_space<vmem>>, vector<1x1x16xf32>,
      %get3A_333 = vector.shape_cast %get3A_332 : vector<1x1x16xf32> to vector<16xf32>
      %add3A_334 = arith.addf %add3A_306, %get3A_333 : vector<16xf32>
      %get3A_335 = arith.constant 7 : i32
      %get3A_336 = arith.index_cast %select_n3A_109 : i32 to index
      %get3A_337 = arith.index_cast %get3A_335 : i32 to index
      %get3A_338 = arith.constant 32 : index
      %get3A_339 = tpu.vector_load %arg6[%get3A_336, %get3A_337, %get3A_338] {strides = array<i32>} : memref<8x56x64xf32, #tpu.memory_space<vmem>>, vector<1x1x16xf32>,
      %get3A_340 = vector.shape_cast %get3A_339 : vector<1x1x16xf32> to vector<16xf32>
      %add3A_341 = arith.addf %add3A_313, %get3A_340 : vector<16xf32>
      %get3A_342 = arith.constant 7 : i32
      %get3A_343 = arith.index_cast %select_n3A_109 : i32 to index
      %get3A_344 = arith.index_cast %get3A_342 : i32 to index
      %get3A_345 = arith.constant 48 : index
      %get3A_346 = tpu.vector_load %arg6[%get3A_343, %get3A_344, %get3A_345] {strides = array<i32>} : memref<8x56x64xf32, #tpu.memory_space<vmem>>, vector<1x1x16xf32>,
      %get3A_347 = vector.shape_cast %get3A_346 : vector<1x1x16xf32> to vector<16xf32>
      %add3A_348 = arith.addf %add3A_320, %get3A_347 : vector<16xf32>
      %get3A_349 = arith.constant 8 : i32
      %get3A_350 = arith.index_cast %select_n3A_109 : i32 to index
      %get3A_351 = arith.index_cast %get3A_349 : i32 to index
      %get3A_352 = arith.constant 0 : index
      %get3A_353 = tpu.vector_load %arg6[%get3A_350, %get3A_351, %get3A_352] {strides = array<i32>} : memref<8x56x64xf32, #tpu.memory_space<vmem>>, vector<1x1x16xf32>,
      %get3A_354 = vector.shape_cast %get3A_353 : vector<1x1x16xf32> to vector<16xf32>
      %add3A_355 = arith.addf %add3A_327, %get3A_354 : vector<16xf32>
      %get3A_356 = arith.constant 8 : i32
      %get3A_357 = arith.index_cast %select_n3A_109 : i32 to index
      %get3A_358 = arith.index_cast %get3A_356 : i32 to index
      %get3A_359 = arith.constant 16 : index
      %get3A_360 = tpu.vector_load %arg6[%get3A_357, %get3A_358, %get3A_359] {strides = array<i32>} : memref<8x56x64xf32, #tpu.memory_space<vmem>>, vector<1x1x16xf32>,
      %get3A_361 = vector.shape_cast %get3A_360 : vector<1x1x16xf32> to vector<16xf32>
      %add3A_362 = arith.addf %add3A_334, %get3A_361 : vector<16xf32>
      %get3A_363 = arith.constant 8 : i32
      %get3A_364 = arith.index_cast %select_n3A_109 : i32 to index
      %get3A_365 = arith.index_cast %get3A_363 : i32 to index
      %get3A_366 = arith.constant 32 : index
      %get3A_367 = tpu.vector_load %arg6[%get3A_364, %get3A_365, %get3A_366] {strides = array<i32>} : memref<8x56x64xf32, #tpu.memory_space<vmem>>, vector<1x1x16xf32>,
      %get3A_368 = vector.shape_cast %get3A_367 : vector<1x1x16xf32> to vector<16xf32>
      %add3A_369 = arith.addf %add3A_341, %get3A_368 : vector<16xf32>
      %get3A_370 = arith.constant 8 : i32
      %get3A_371 = arith.index_cast %select_n3A_109 : i32 to index
      %get3A_372 = arith.index_cast %get3A_370 : i32 to index
      %get3A_373 = arith.constant 48 : index
      %get3A_374 = tpu.vector_load %arg6[%get3A_371, %get3A_372, %get3A_373] {strides = array<i32>} : memref<8x56x64xf32, #tpu.memory_space<vmem>>, vector<1x1x16xf32>,
      %get3A_375 = vector.shape_cast %get3A_374 : vector<1x1x16xf32> to vector<16xf32>
      %add3A_376 = arith.addf %add3A_348, %get3A_375 : vector<16xf32>
      %get3A_377 = arith.constant 9 : i32
      %get3A_378 = arith.index_cast %select_n3A_109 : i32 to index
      %get3A_379 = arith.index_cast %get3A_377 : i32 to index
      %get3A_380 = arith.constant 0 : index
      %get3A_381 = tpu.vector_load %arg6[%get3A_378, %get3A_379, %get3A_380] {strides = array<i32>} : memref<8x56x64xf32, #tpu.memory_space<vmem>>, vector<1x1x16xf32>,
      %get3A_382 = vector.shape_cast %get3A_381 : vector<1x1x16xf32> to vector<16xf32>
      %add3A_383 = arith.addf %add3A_355, %get3A_382 : vector<16xf32>
      %get3A_384 = arith.constant 9 : i32
      %get3A_385 = arith.index_cast %select_n3A_109 : i32 to index
      %get3A_386 = arith.index_cast %get3A_384 : i32 to index
      %get3A_387 = arith.constant 16 : index
      %get3A_388 = tpu.vector_load %arg6[%get3A_385, %get3A_386, %get3A_387] {strides = array<i32>} : memref<8x56x64xf32, #tpu.memory_space<vmem>>, vector<1x1x16xf32>,
      %get3A_389 = vector.shape_cast %get3A_388 : vector<1x1x16xf32> to vector<16xf32>
      %add3A_390 = arith.addf %add3A_362, %get3A_389 : vector<16xf32>
      %get3A_391 = arith.constant 9 : i32
      %get3A_392 = arith.index_cast %select_n3A_109 : i32 to index
      %get3A_393 = arith.index_cast %get3A_391 : i32 to index
      %get3A_394 = arith.constant 32 : index
      %get3A_395 = tpu.vector_load %arg6[%get3A_392, %get3A_393, %get3A_394] {strides = array<i32>} : memref<8x56x64xf32, #tpu.memory_space<vmem>>, vector<1x1x16xf32>,
      %get3A_396 = vector.shape_cast %get3A_395 : vector<1x1x16xf32> to vector<16xf32>
      %add3A_397 = arith.addf %add3A_369, %get3A_396 : vector<16xf32>
      %get3A_398 = arith.constant 9 : i32
      %get3A_399 = arith.index_cast %select_n3A_109 : i32 to index
      %get3A_400 = arith.index_cast %get3A_398 : i32 to index
      %get3A_401 = arith.constant 48 : index
      %get3A_402 = tpu.vector_load %arg6[%get3A_399, %get3A_400, %get3A_401] {strides = array<i32>} : memref<8x56x64xf32, #tpu.memory_space<vmem>>, vector<1x1x16xf32>,
      %get3A_403 = vector.shape_cast %get3A_402 : vector<1x1x16xf32> to vector<16xf32>
      %add3A_404 = arith.addf %add3A_376, %get3A_403 : vector<16xf32>
      %get3A_405 = arith.constant 10 : i32
      %get3A_406 = arith.index_cast %select_n3A_109 : i32 to index
      %get3A_407 = arith.index_cast %get3A_405 : i32 to index
      %get3A_408 = arith.constant 0 : index
      %get3A_409 = tpu.vector_load %arg6[%get3A_406, %get3A_407, %get3A_408] {strides = array<i32>} : memref<8x56x64xf32, #tpu.memory_space<vmem>>, vector<1x1x16xf32>,
      %get3A_410 = vector.shape_cast %get3A_409 : vector<1x1x16xf32> to vector<16xf32>
      %add3A_411 = arith.addf %add3A_383, %get3A_410 : vector<16xf32>
      %get3A_412 = arith.constant 10 : i32
      %get3A_413 = arith.index_cast %select_n3A_109 : i32 to index
      %get3A_414 = arith.index_cast %get3A_412 : i32 to index
      %get3A_415 = arith.constant 16 : index
      %get3A_416 = tpu.vector_load %arg6[%get3A_413, %get3A_414, %get3A_415] {strides = array<i32>} : memref<8x56x64xf32, #tpu.memory_space<vmem>>, vector<1x1x16xf32>,
      %get3A_417 = vector.shape_cast %get3A_416 : vector<1x1x16xf32> to vector<16xf32>
      %add3A_418 = arith.addf %add3A_390, %get3A_417 : vector<16xf32>
      %get3A_419 = arith.constant 10 : i32
      %get3A_420 = arith.index_cast %select_n3A_109 : i32 to index
      %get3A_421 = arith.index_cast %get3A_419 : i32 to index
      %get3A_422 = arith.constant 32 : index
      %get3A_423 = tpu.vector_load %arg6[%get3A_420, %get3A_421, %get3A_422] {strides = array<i32>} : memref<8x56x64xf32, #tpu.memory_space<vmem>>, vector<1x1x16xf32>,
      %get3A_424 = vector.shape_cast %get3A_423 : vector<1x1x16xf32> to vector<16xf32>
      %add3A_425 = arith.addf %add3A_397, %get3A_424 : vector<16xf32>
      %get3A_426 = arith.constant 10 : i32
      %get3A_427 = arith.index_cast %select_n3A_109 : i32 to index
      %get3A_428 = arith.index_cast %get3A_426 : i32 to index
      %get3A_429 = arith.constant 48 : index
      %get3A_430 = tpu.vector_load %arg6[%get3A_427, %get3A_428, %get3A_429] {strides = array<i32>} : memref<8x56x64xf32, #tpu.memory_space<vmem>>, vector<1x1x16xf32>,
      %get3A_431 = vector.shape_cast %get3A_430 : vector<1x1x16xf32> to vector<16xf32>
      %add3A_432 = arith.addf %add3A_404, %get3A_431 : vector<16xf32>
      %get3A_433 = arith.constant 11 : i32
      %get3A_434 = arith.index_cast %select_n3A_109 : i32 to index
      %get3A_435 = arith.index_cast %get3A_433 : i32 to index
      %get3A_436 = arith.constant 0 : index
      %get3A_437 = tpu.vector_load %arg6[%get3A_434, %get3A_435, %get3A_436] {strides = array<i32>} : memref<8x56x64xf32, #tpu.memory_space<vmem>>, vector<1x1x16xf32>,
      %get3A_438 = vector.shape_cast %get3A_437 : vector<1x1x16xf32> to vector<16xf32>
      %add3A_439 = arith.addf %add3A_411, %get3A_438 : vector<16xf32>
      %get3A_440 = arith.constant 11 : i32
      %get3A_441 = arith.index_cast %select_n3A_109 : i32 to index
      %get3A_442 = arith.index_cast %get3A_440 : i32 to index
      %get3A_443 = arith.constant 16 : index
      %get3A_444 = tpu.vector_load %arg6[%get3A_441, %get3A_442, %get3A_443] {strides = array<i32>} : memref<8x56x64xf32, #tpu.memory_space<vmem>>, vector<1x1x16xf32>,
      %get3A_445 = vector.shape_cast %get3A_444 : vector<1x1x16xf32> to vector<16xf32>
      %add3A_446 = arith.addf %add3A_418, %get3A_445 : vector<16xf32>
      %get3A_447 = arith.constant 11 : i32
      %get3A_448 = arith.index_cast %select_n3A_109 : i32 to index
      %get3A_449 = arith.index_cast %get3A_447 : i32 to index
      %get3A_450 = arith.constant 32 : index
      %get3A_451 = tpu.vector_load %arg6[%get3A_448, %get3A_449, %get3A_450] {strides = array<i32>} : memref<8x56x64xf32, #tpu.memory_space<vmem>>, vector<1x1x16xf32>,
      %get3A_452 = vector.shape_cast %get3A_451 : vector<1x1x16xf32> to vector<16xf32>
      %add3A_453 = arith.addf %add3A_425, %get3A_452 : vector<16xf32>
      %get3A_454 = arith.constant 11 : i32
      %get3A_455 = arith.index_cast %select_n3A_109 : i32 to index
      %get3A_456 = arith.index_cast %get3A_454 : i32 to index
      %get3A_457 = arith.constant 48 : index
      %get3A_458 = tpu.vector_load %arg6[%get3A_455, %get3A_456, %get3A_457] {strides = array<i32>} : memref<8x56x64xf32, #tpu.memory_space<vmem>>, vector<1x1x16xf32>,
      %get3A_459 = vector.shape_cast %get3A_458 : vector<1x1x16xf32> to vector<16xf32>
      %add3A_460 = arith.addf %add3A_432, %get3A_459 : vector<16xf32>
      %get3A_461 = arith.constant 12 : i32
      %get3A_462 = arith.index_cast %select_n3A_109 : i32 to index
      %get3A_463 = arith.index_cast %get3A_461 : i32 to index
      %get3A_464 = arith.constant 0 : index
      %get3A_465 = tpu.vector_load %arg6[%get3A_462, %get3A_463, %get3A_464] {strides = array<i32>} : memref<8x56x64xf32, #tpu.memory_space<vmem>>, vector<1x1x16xf32>,
      %get3A_466 = vector.shape_cast %get3A_465 : vector<1x1x16xf32> to vector<16xf32>
      %add3A_467 = arith.addf %add3A_439, %get3A_466 : vector<16xf32>
      %get3A_468 = arith.constant 12 : i32
      %get3A_469 = arith.index_cast %select_n3A_109 : i32 to index
      %get3A_470 = arith.index_cast %get3A_468 : i32 to index
      %get3A_471 = arith.constant 16 : index
      %get3A_472 = tpu.vector_load %arg6[%get3A_469, %get3A_470, %get3A_471] {strides = array<i32>} : memref<8x56x64xf32, #tpu.memory_space<vmem>>, vector<1x1x16xf32>,
      %get3A_473 = vector.shape_cast %get3A_472 : vector<1x1x16xf32> to vector<16xf32>
      %add3A_474 = arith.addf %add3A_446, %get3A_473 : vector<16xf32>
      %get3A_475 = arith.constant 12 : i32
      %get3A_476 = arith.index_cast %select_n3A_109 : i32 to index
      %get3A_477 = arith.index_cast %get3A_475 : i32 to index
      %get3A_478 = arith.constant 32 : index
      %get3A_479 = tpu.vector_load %arg6[%get3A_476, %get3A_477, %get3A_478] {strides = array<i32>} : memref<8x56x64xf32, #tpu.memory_space<vmem>>, vector<1x1x16xf32>,
      %get3A_480 = vector.shape_cast %get3A_479 : vector<1x1x16xf32> to vector<16xf32>
      %add3A_481 = arith.addf %add3A_453, %get3A_480 : vector<16xf32>
      %get3A_482 = arith.constant 12 : i32
      %get3A_483 = arith.index_cast %select_n3A_109 : i32 to index
      %get3A_484 = arith.index_cast %get3A_482 : i32 to index
      %get3A_485 = arith.constant 48 : index
      %get3A_486 = tpu.vector_load %arg6[%get3A_483, %get3A_484, %get3A_485] {strides = array<i32>} : memref<8x56x64xf32, #tpu.memory_space<vmem>>, vector<1x1x16xf32>,
      %get3A_487 = vector.shape_cast %get3A_486 : vector<1x1x16xf32> to vector<16xf32>
      %add3A_488 = arith.addf %add3A_460, %get3A_487 : vector<16xf32>
      %get3A_489 = arith.constant 13 : i32
      %get3A_490 = arith.index_cast %select_n3A_109 : i32 to index
      %get3A_491 = arith.index_cast %get3A_489 : i32 to index
      %get3A_492 = arith.constant 0 : index
      %get3A_493 = tpu.vector_load %arg6[%get3A_490, %get3A_491, %get3A_492] {strides = array<i32>} : memref<8x56x64xf32, #tpu.memory_space<vmem>>, vector<1x1x16xf32>,
      %get3A_494 = vector.shape_cast %get3A_493 : vector<1x1x16xf32> to vector<16xf32>
      %add3A_495 = arith.addf %add3A_467, %get3A_494 : vector<16xf32>
      %get3A_496 = arith.constant 13 : i32
      %get3A_497 = arith.index_cast %select_n3A_109 : i32 to index
      %get3A_498 = arith.index_cast %get3A_496 : i32 to index
      %get3A_499 = arith.constant 16 : index
      %get3A_500 = tpu.vector_load %arg6[%get3A_497, %get3A_498, %get3A_499] {strides = array<i32>} : memref<8x56x64xf32, #tpu.memory_space<vmem>>, vector<1x1x16xf32>,
      %get3A_501 = vector.shape_cast %get3A_500 : vector<1x1x16xf32> to vector<16xf32>
      %add3A_502 = arith.addf %add3A_474, %get3A_501 : vector<16xf32>
      %get3A_503 = arith.constant 13 : i32
      %get3A_504 = arith.index_cast %select_n3A_109 : i32 to index
      %get3A_505 = arith.index_cast %get3A_503 : i32 to index
      %get3A_506 = arith.constant 32 : index
      %get3A_507 = tpu.vector_load %arg6[%get3A_504, %get3A_505, %get3A_506] {strides = array<i32>} : memref<8x56x64xf32, #tpu.memory_space<vmem>>, vector<1x1x16xf32>,
      %get3A_508 = vector.shape_cast %get3A_507 : vector<1x1x16xf32> to vector<16xf32>
      %add3A_509 = arith.addf %add3A_481, %get3A_508 : vector<16xf32>
      %get3A_510 = arith.constant 13 : i32
      %get3A_511 = arith.index_cast %select_n3A_109 : i32 to index
      %get3A_512 = arith.index_cast %get3A_510 : i32 to index
      %get3A_513 = arith.constant 48 : index
      %get3A_514 = tpu.vector_load %arg6[%get3A_511, %get3A_512, %get3A_513] {strides = array<i32>} : memref<8x56x64xf32, #tpu.memory_space<vmem>>, vector<1x1x16xf32>,
      %get3A_515 = vector.shape_cast %get3A_514 : vector<1x1x16xf32> to vector<16xf32>
      %add3A_516 = arith.addf %add3A_488, %get3A_515 : vector<16xf32>
      %get3A_517 = arith.constant 14 : i32
      %get3A_518 = arith.index_cast %select_n3A_109 : i32 to index
      %get3A_519 = arith.index_cast %get3A_517 : i32 to index
      %get3A_520 = arith.constant 0 : index
      %get3A_521 = tpu.vector_load %arg6[%get3A_518, %get3A_519, %get3A_520] {strides = array<i32>} : memref<8x56x64xf32, #tpu.memory_space<vmem>>, vector<1x1x16xf32>,
      %get3A_522 = vector.shape_cast %get3A_521 : vector<1x1x16xf32> to vector<16xf32>
      %add3A_523 = arith.addf %add3A_495, %get3A_522 : vector<16xf32>
      %get3A_524 = arith.constant 14 : i32
      %get3A_525 = arith.index_cast %select_n3A_109 : i32 to index
      %get3A_526 = arith.index_cast %get3A_524 : i32 to index
      %get3A_527 = arith.constant 16 : index
      %get3A_528 = tpu.vector_load %arg6[%get3A_525, %get3A_526, %get3A_527] {strides = array<i32>} : memref<8x56x64xf32, #tpu.memory_space<vmem>>, vector<1x1x16xf32>,
      %get3A_529 = vector.shape_cast %get3A_528 : vector<1x1x16xf32> to vector<16xf32>
      %add3A_530 = arith.addf %add3A_502, %get3A_529 : vector<16xf32>
      %get3A_531 = arith.constant 14 : i32
      %get3A_532 = arith.index_cast %select_n3A_109 : i32 to index
      %get3A_533 = arith.index_cast %get3A_531 : i32 to index
      %get3A_534 = arith.constant 32 : index
      %get3A_535 = tpu.vector_load %arg6[%get3A_532, %get3A_533, %get3A_534] {strides = array<i32>} : memref<8x56x64xf32, #tpu.memory_space<vmem>>, vector<1x1x16xf32>,
      %get3A_536 = vector.shape_cast %get3A_535 : vector<1x1x16xf32> to vector<16xf32>
      %add3A_537 = arith.addf %add3A_509, %get3A_536 : vector<16xf32>
      %get3A_538 = arith.constant 14 : i32
      %get3A_539 = arith.index_cast %select_n3A_109 : i32 to index
      %get3A_540 = arith.index_cast %get3A_538 : i32 to index
      %get3A_541 = arith.constant 48 : index
      %get3A_542 = tpu.vector_load %arg6[%get3A_539, %get3A_540, %get3A_541] {strides = array<i32>} : memref<8x56x64xf32, #tpu.memory_space<vmem>>, vector<1x1x16xf32>,
      %get3A_543 = vector.shape_cast %get3A_542 : vector<1x1x16xf32> to vector<16xf32>
      %add3A_544 = arith.addf %add3A_516, %get3A_543 : vector<16xf32>
      %get3A_545 = arith.constant 15 : i32
      %get3A_546 = arith.index_cast %select_n3A_109 : i32 to index
      %get3A_547 = arith.index_cast %get3A_545 : i32 to index
      %get3A_548 = arith.constant 0 : index
      %get3A_549 = tpu.vector_load %arg6[%get3A_546, %get3A_547, %get3A_548] {strides = array<i32>} : memref<8x56x64xf32, #tpu.memory_space<vmem>>, vector<1x1x16xf32>,
      %get3A_550 = vector.shape_cast %get3A_549 : vector<1x1x16xf32> to vector<16xf32>
      %add3A_551 = arith.addf %add3A_523, %get3A_550 : vector<16xf32>
      %get3A_552 = arith.constant 15 : i32
      %get3A_553 = arith.index_cast %select_n3A_109 : i32 to index
      %get3A_554 = arith.index_cast %get3A_552 : i32 to index
      %get3A_555 = arith.constant 16 : index
      %get3A_556 = tpu.vector_load %arg6[%get3A_553, %get3A_554, %get3A_555] {strides = array<i32>} : memref<8x56x64xf32, #tpu.memory_space<vmem>>, vector<1x1x16xf32>,
      %get3A_557 = vector.shape_cast %get3A_556 : vector<1x1x16xf32> to vector<16xf32>
      %add3A_558 = arith.addf %add3A_530, %get3A_557 : vector<16xf32>
      %get3A_559 = arith.constant 15 : i32
      %get3A_560 = arith.index_cast %select_n3A_109 : i32 to index
      %get3A_561 = arith.index_cast %get3A_559 : i32 to index
      %get3A_562 = arith.constant 32 : index
      %get3A_563 = tpu.vector_load %arg6[%get3A_560, %get3A_561, %get3A_562] {strides = array<i32>} : memref<8x56x64xf32, #tpu.memory_space<vmem>>, vector<1x1x16xf32>,
      %get3A_564 = vector.shape_cast %get3A_563 : vector<1x1x16xf32> to vector<16xf32>
      %add3A_565 = arith.addf %add3A_537, %get3A_564 : vector<16xf32>
      %get3A_566 = arith.constant 15 : i32
      %get3A_567 = arith.index_cast %select_n3A_109 : i32 to index
      %get3A_568 = arith.index_cast %get3A_566 : i32 to index
      %get3A_569 = arith.constant 48 : index
      %get3A_570 = tpu.vector_load %arg6[%get3A_567, %get3A_568, %get3A_569] {strides = array<i32>} : memref<8x56x64xf32, #tpu.memory_space<vmem>>, vector<1x1x16xf32>,
      %get3A_571 = vector.shape_cast %get3A_570 : vector<1x1x16xf32> to vector<16xf32>
      %add3A_572 = arith.addf %add3A_544, %get3A_571 : vector<16xf32>
      %get3A_573 = arith.constant 16 : i32
      %get3A_574 = arith.index_cast %select_n3A_109 : i32 to index
      %get3A_575 = arith.index_cast %get3A_573 : i32 to index
      %get3A_576 = arith.constant 0 : index
      %get3A_577 = tpu.vector_load %arg6[%get3A_574, %get3A_575, %get3A_576] {strides = array<i32>} : memref<8x56x64xf32, #tpu.memory_space<vmem>>, vector<1x1x16xf32>,
      %get3A_578 = vector.shape_cast %get3A_577 : vector<1x1x16xf32> to vector<16xf32>
      %add3A_579 = arith.addf %add3A_551, %get3A_578 : vector<16xf32>
      %get3A_580 = arith.constant 16 : i32
      %get3A_581 = arith.index_cast %select_n3A_109 : i32 to index
      %get3A_582 = arith.index_cast %get3A_580 : i32 to index
      %get3A_583 = arith.constant 16 : index
      %get3A_584 = tpu.vector_load %arg6[%get3A_581, %get3A_582, %get3A_583] {strides = array<i32>} : memref<8x56x64xf32, #tpu.memory_space<vmem>>, vector<1x1x16xf32>,
      %get3A_585 = vector.shape_cast %get3A_584 : vector<1x1x16xf32> to vector<16xf32>
      %add3A_586 = arith.addf %add3A_558, %get3A_585 : vector<16xf32>
      %get3A_587 = arith.constant 16 : i32
      %get3A_588 = arith.index_cast %select_n3A_109 : i32 to index
      %get3A_589 = arith.index_cast %get3A_587 : i32 to index
      %get3A_590 = arith.constant 32 : index
      %get3A_591 = tpu.vector_load %arg6[%get3A_588, %get3A_589, %get3A_590] {strides = array<i32>} : memref<8x56x64xf32, #tpu.memory_space<vmem>>, vector<1x1x16xf32>,
      %get3A_592 = vector.shape_cast %get3A_591 : vector<1x1x16xf32> to vector<16xf32>
      %add3A_593 = arith.addf %add3A_565, %get3A_592 : vector<16xf32>
      %get3A_594 = arith.constant 16 : i32
      %get3A_595 = arith.index_cast %select_n3A_109 : i32 to index
      %get3A_596 = arith.index_cast %get3A_594 : i32 to index
      %get3A_597 = arith.constant 48 : index
      %get3A_598 = tpu.vector_load %arg6[%get3A_595, %get3A_596, %get3A_597] {strides = array<i32>} : memref<8x56x64xf32, #tpu.memory_space<vmem>>, vector<1x1x16xf32>,
      %get3A_599 = vector.shape_cast %get3A_598 : vector<1x1x16xf32> to vector<16xf32>
      %add3A_600 = arith.addf %add3A_572, %get3A_599 : vector<16xf32>
      %get3A_601 = arith.constant 17 : i32
      %get3A_602 = arith.index_cast %select_n3A_109 : i32 to index
      %get3A_603 = arith.index_cast %get3A_601 : i32 to index
      %get3A_604 = arith.constant 0 : index
      %get3A_605 = tpu.vector_load %arg6[%get3A_602, %get3A_603, %get3A_604] {strides = array<i32>} : memref<8x56x64xf32, #tpu.memory_space<vmem>>, vector<1x1x16xf32>,
      %get3A_606 = vector.shape_cast %get3A_605 : vector<1x1x16xf32> to vector<16xf32>
      %add3A_607 = arith.addf %add3A_579, %get3A_606 : vector<16xf32>
      %get3A_608 = arith.constant 17 : i32
      %get3A_609 = arith.index_cast %select_n3A_109 : i32 to index
      %get3A_610 = arith.index_cast %get3A_608 : i32 to index
      %get3A_611 = arith.constant 16 : index
      %get3A_612 = tpu.vector_load %arg6[%get3A_609, %get3A_610, %get3A_611] {strides = array<i32>} : memref<8x56x64xf32, #tpu.memory_space<vmem>>, vector<1x1x16xf32>,
      %get3A_613 = vector.shape_cast %get3A_612 : vector<1x1x16xf32> to vector<16xf32>
      %add3A_614 = arith.addf %add3A_586, %get3A_613 : vector<16xf32>
      %get3A_615 = arith.constant 17 : i32
      %get3A_616 = arith.index_cast %select_n3A_109 : i32 to index
      %get3A_617 = arith.index_cast %get3A_615 : i32 to index
      %get3A_618 = arith.constant 32 : index
      %get3A_619 = tpu.vector_load %arg6[%get3A_616, %get3A_617, %get3A_618] {strides = array<i32>} : memref<8x56x64xf32, #tpu.memory_space<vmem>>, vector<1x1x16xf32>,
      %get3A_620 = vector.shape_cast %get3A_619 : vector<1x1x16xf32> to vector<16xf32>
      %add3A_621 = arith.addf %add3A_593, %get3A_620 : vector<16xf32>
      %get3A_622 = arith.constant 17 : i32
      %get3A_623 = arith.index_cast %select_n3A_109 : i32 to index
      %get3A_624 = arith.index_cast %get3A_622 : i32 to index
      %get3A_625 = arith.constant 48 : index
      %get3A_626 = tpu.vector_load %arg6[%get3A_623, %get3A_624, %get3A_625] {strides = array<i32>} : memref<8x56x64xf32, #tpu.memory_space<vmem>>, vector<1x1x16xf32>,
      %get3A_627 = vector.shape_cast %get3A_626 : vector<1x1x16xf32> to vector<16xf32>
      %add3A_628 = arith.addf %add3A_600, %get3A_627 : vector<16xf32>
      %get3A_629 = arith.constant 18 : i32
      %get3A_630 = arith.index_cast %select_n3A_109 : i32 to index
      %get3A_631 = arith.index_cast %get3A_629 : i32 to index
      %get3A_632 = arith.constant 0 : index
      %get3A_633 = tpu.vector_load %arg6[%get3A_630, %get3A_631, %get3A_632] {strides = array<i32>} : memref<8x56x64xf32, #tpu.memory_space<vmem>>, vector<1x1x16xf32>,
      %get3A_634 = vector.shape_cast %get3A_633 : vector<1x1x16xf32> to vector<16xf32>
      %add3A_635 = arith.addf %add3A_607, %get3A_634 : vector<16xf32>
      %get3A_636 = arith.constant 18 : i32
      %get3A_637 = arith.index_cast %select_n3A_109 : i32 to index
      %get3A_638 = arith.index_cast %get3A_636 : i32 to index
      %get3A_639 = arith.constant 16 : index
      %get3A_640 = tpu.vector_load %arg6[%get3A_637, %get3A_638, %get3A_639] {strides = array<i32>} : memref<8x56x64xf32, #tpu.memory_space<vmem>>, vector<1x1x16xf32>,
      %get3A_641 = vector.shape_cast %get3A_640 : vector<1x1x16xf32> to vector<16xf32>
      %add3A_642 = arith.addf %add3A_614, %get3A_641 : vector<16xf32>
      %get3A_643 = arith.constant 18 : i32
      %get3A_644 = arith.index_cast %select_n3A_109 : i32 to index
      %get3A_645 = arith.index_cast %get3A_643 : i32 to index
      %get3A_646 = arith.constant 32 : index
      %get3A_647 = tpu.vector_load %arg6[%get3A_644, %get3A_645, %get3A_646] {strides = array<i32>} : memref<8x56x64xf32, #tpu.memory_space<vmem>>, vector<1x1x16xf32>,
      %get3A_648 = vector.shape_cast %get3A_647 : vector<1x1x16xf32> to vector<16xf32>
      %add3A_649 = arith.addf %add3A_621, %get3A_648 : vector<16xf32>
      %get3A_650 = arith.constant 18 : i32
      %get3A_651 = arith.index_cast %select_n3A_109 : i32 to index
      %get3A_652 = arith.index_cast %get3A_650 : i32 to index
      %get3A_653 = arith.constant 48 : index
      %get3A_654 = tpu.vector_load %arg6[%get3A_651, %get3A_652, %get3A_653] {strides = array<i32>} : memref<8x56x64xf32, #tpu.memory_space<vmem>>, vector<1x1x16xf32>,
      %get3A_655 = vector.shape_cast %get3A_654 : vector<1x1x16xf32> to vector<16xf32>
      %add3A_656 = arith.addf %add3A_628, %get3A_655 : vector<16xf32>
      %get3A_657 = arith.constant 19 : i32
      %get3A_658 = arith.index_cast %select_n3A_109 : i32 to index
      %get3A_659 = arith.index_cast %get3A_657 : i32 to index
      %get3A_660 = arith.constant 0 : index
      %get3A_661 = tpu.vector_load %arg6[%get3A_658, %get3A_659, %get3A_660] {strides = array<i32>} : memref<8x56x64xf32, #tpu.memory_space<vmem>>, vector<1x1x16xf32>,
      %get3A_662 = vector.shape_cast %get3A_661 : vector<1x1x16xf32> to vector<16xf32>
      %add3A_663 = arith.addf %add3A_635, %get3A_662 : vector<16xf32>
      %get3A_664 = arith.constant 19 : i32
      %get3A_665 = arith.index_cast %select_n3A_109 : i32 to index
      %get3A_666 = arith.index_cast %get3A_664 : i32 to index
      %get3A_667 = arith.constant 16 : index
      %get3A_668 = tpu.vector_load %arg6[%get3A_665, %get3A_666, %get3A_667] {strides = array<i32>} : memref<8x56x64xf32, #tpu.memory_space<vmem>>, vector<1x1x16xf32>,
      %get3A_669 = vector.shape_cast %get3A_668 : vector<1x1x16xf32> to vector<16xf32>
      %add3A_670 = arith.addf %add3A_642, %get3A_669 : vector<16xf32>
      %get3A_671 = arith.constant 19 : i32
      %get3A_672 = arith.index_cast %select_n3A_109 : i32 to index
      %get3A_673 = arith.index_cast %get3A_671 : i32 to index
      %get3A_674 = arith.constant 32 : index
      %get3A_675 = tpu.vector_load %arg6[%get3A_672, %get3A_673, %get3A_674] {strides = array<i32>} : memref<8x56x64xf32, #tpu.memory_space<vmem>>, vector<1x1x16xf32>,
      %get3A_676 = vector.shape_cast %get3A_675 : vector<1x1x16xf32> to vector<16xf32>
      %add3A_677 = arith.addf %add3A_649, %get3A_676 : vector<16xf32>
      %get3A_678 = arith.constant 19 : i32
      %get3A_679 = arith.index_cast %select_n3A_109 : i32 to index
      %get3A_680 = arith.index_cast %get3A_678 : i32 to index
      %get3A_681 = arith.constant 48 : index
      %get3A_682 = tpu.vector_load %arg6[%get3A_679, %get3A_680, %get3A_681] {strides = array<i32>} : memref<8x56x64xf32, #tpu.memory_space<vmem>>, vector<1x1x16xf32>,
      %get3A_683 = vector.shape_cast %get3A_682 : vector<1x1x16xf32> to vector<16xf32>
      %add3A_684 = arith.addf %add3A_656, %get3A_683 : vector<16xf32>
      %get3A_685 = arith.constant 20 : i32
      %get3A_686 = arith.index_cast %select_n3A_109 : i32 to index
      %get3A_687 = arith.index_cast %get3A_685 : i32 to index
      %get3A_688 = arith.constant 0 : index
      %get3A_689 = tpu.vector_load %arg6[%get3A_686, %get3A_687, %get3A_688] {strides = array<i32>} : memref<8x56x64xf32, #tpu.memory_space<vmem>>, vector<1x1x16xf32>,
      %get3A_690 = vector.shape_cast %get3A_689 : vector<1x1x16xf32> to vector<16xf32>
      %add3A_691 = arith.addf %add3A_663, %get3A_690 : vector<16xf32>
      %get3A_692 = arith.constant 20 : i32
      %get3A_693 = arith.index_cast %select_n3A_109 : i32 to index
      %get3A_694 = arith.index_cast %get3A_692 : i32 to index
      %get3A_695 = arith.constant 16 : index
      %get3A_696 = tpu.vector_load %arg6[%get3A_693, %get3A_694, %get3A_695] {strides = array<i32>} : memref<8x56x64xf32, #tpu.memory_space<vmem>>, vector<1x1x16xf32>,
      %get3A_697 = vector.shape_cast %get3A_696 : vector<1x1x16xf32> to vector<16xf32>
      %add3A_698 = arith.addf %add3A_670, %get3A_697 : vector<16xf32>
      %get3A_699 = arith.constant 20 : i32
      %get3A_700 = arith.index_cast %select_n3A_109 : i32 to index
      %get3A_701 = arith.index_cast %get3A_699 : i32 to index
      %get3A_702 = arith.constant 32 : index
      %get3A_703 = tpu.vector_load %arg6[%get3A_700, %get3A_701, %get3A_702] {strides = array<i32>} : memref<8x56x64xf32, #tpu.memory_space<vmem>>, vector<1x1x16xf32>,
      %get3A_704 = vector.shape_cast %get3A_703 : vector<1x1x16xf32> to vector<16xf32>
      %add3A_705 = arith.addf %add3A_677, %get3A_704 : vector<16xf32>
      %get3A_706 = arith.constant 20 : i32
      %get3A_707 = arith.index_cast %select_n3A_109 : i32 to index
      %get3A_708 = arith.index_cast %get3A_706 : i32 to index
      %get3A_709 = arith.constant 48 : index
      %get3A_710 = tpu.vector_load %arg6[%get3A_707, %get3A_708, %get3A_709] {strides = array<i32>} : memref<8x56x64xf32, #tpu.memory_space<vmem>>, vector<1x1x16xf32>,
      %get3A_711 = vector.shape_cast %get3A_710 : vector<1x1x16xf32> to vector<16xf32>
      %add3A_712 = arith.addf %add3A_684, %get3A_711 : vector<16xf32>
      %get3A_713 = arith.constant 21 : i32
      %get3A_714 = arith.index_cast %select_n3A_109 : i32 to index
      %get3A_715 = arith.index_cast %get3A_713 : i32 to index
      %get3A_716 = arith.constant 0 : index
      %get3A_717 = tpu.vector_load %arg6[%get3A_714, %get3A_715, %get3A_716] {strides = array<i32>} : memref<8x56x64xf32, #tpu.memory_space<vmem>>, vector<1x1x16xf32>,
      %get3A_718 = vector.shape_cast %get3A_717 : vector<1x1x16xf32> to vector<16xf32>
      %add3A_719 = arith.addf %add3A_691, %get3A_718 : vector<16xf32>
      %get3A_720 = arith.constant 21 : i32
      %get3A_721 = arith.index_cast %select_n3A_109 : i32 to index
      %get3A_722 = arith.index_cast %get3A_720 : i32 to index
      %get3A_723 = arith.constant 16 : index
      %get3A_724 = tpu.vector_load %arg6[%get3A_721, %get3A_722, %get3A_723] {strides = array<i32>} : memref<8x56x64xf32, #tpu.memory_space<vmem>>, vector<1x1x16xf32>,
      %get3A_725 = vector.shape_cast %get3A_724 : vector<1x1x16xf32> to vector<16xf32>
      %add3A_726 = arith.addf %add3A_698, %get3A_725 : vector<16xf32>
      %get3A_727 = arith.constant 21 : i32
      %get3A_728 = arith.index_cast %select_n3A_109 : i32 to index
      %get3A_729 = arith.index_cast %get3A_727 : i32 to index
      %get3A_730 = arith.constant 32 : index
      %get3A_731 = tpu.vector_load %arg6[%get3A_728, %get3A_729, %get3A_730] {strides = array<i32>} : memref<8x56x64xf32, #tpu.memory_space<vmem>>, vector<1x1x16xf32>,
      %get3A_732 = vector.shape_cast %get3A_731 : vector<1x1x16xf32> to vector<16xf32>
      %add3A_733 = arith.addf %add3A_705, %get3A_732 : vector<16xf32>
      %get3A_734 = arith.constant 21 : i32
      %get3A_735 = arith.index_cast %select_n3A_109 : i32 to index
      %get3A_736 = arith.index_cast %get3A_734 : i32 to index
      %get3A_737 = arith.constant 48 : index
      %get3A_738 = tpu.vector_load %arg6[%get3A_735, %get3A_736, %get3A_737] {strides = array<i32>} : memref<8x56x64xf32, #tpu.memory_space<vmem>>, vector<1x1x16xf32>,
      %get3A_739 = vector.shape_cast %get3A_738 : vector<1x1x16xf32> to vector<16xf32>
      %add3A_740 = arith.addf %add3A_712, %get3A_739 : vector<16xf32>
      %get3A_741 = arith.constant 22 : i32
      %get3A_742 = arith.index_cast %select_n3A_109 : i32 to index
      %get3A_743 = arith.index_cast %get3A_741 : i32 to index
      %get3A_744 = arith.constant 0 : index
      %get3A_745 = tpu.vector_load %arg6[%get3A_742, %get3A_743, %get3A_744] {strides = array<i32>} : memref<8x56x64xf32, #tpu.memory_space<vmem>>, vector<1x1x16xf32>,
      %get3A_746 = vector.shape_cast %get3A_745 : vector<1x1x16xf32> to vector<16xf32>
      %add3A_747 = arith.addf %add3A_719, %get3A_746 : vector<16xf32>
      %get3A_748 = arith.constant 22 : i32
      %get3A_749 = arith.index_cast %select_n3A_109 : i32 to index
      %get3A_750 = arith.index_cast %get3A_748 : i32 to index
      %get3A_751 = arith.constant 16 : index
      %get3A_752 = tpu.vector_load %arg6[%get3A_749, %get3A_750, %get3A_751] {strides = array<i32>} : memref<8x56x64xf32, #tpu.memory_space<vmem>>, vector<1x1x16xf32>,
      %get3A_753 = vector.shape_cast %get3A_752 : vector<1x1x16xf32> to vector<16xf32>
      %add3A_754 = arith.addf %add3A_726, %get3A_753 : vector<16xf32>
      %get3A_755 = arith.constant 22 : i32
      %get3A_756 = arith.index_cast %select_n3A_109 : i32 to index
      %get3A_757 = arith.index_cast %get3A_755 : i32 to index
      %get3A_758 = arith.constant 32 : index
      %get3A_759 = tpu.vector_load %arg6[%get3A_756, %get3A_757, %get3A_758] {strides = array<i32>} : memref<8x56x64xf32, #tpu.memory_space<vmem>>, vector<1x1x16xf32>,
      %get3A_760 = vector.shape_cast %get3A_759 : vector<1x1x16xf32> to vector<16xf32>
      %add3A_761 = arith.addf %add3A_733, %get3A_760 : vector<16xf32>
      %get3A_762 = arith.constant 22 : i32
      %get3A_763 = arith.index_cast %select_n3A_109 : i32 to index
      %get3A_764 = arith.index_cast %get3A_762 : i32 to index
      %get3A_765 = arith.constant 48 : index
      %get3A_766 = tpu.vector_load %arg6[%get3A_763, %get3A_764, %get3A_765] {strides = array<i32>} : memref<8x56x64xf32, #tpu.memory_space<vmem>>, vector<1x1x16xf32>,
      %get3A_767 = vector.shape_cast %get3A_766 : vector<1x1x16xf32> to vector<16xf32>
      %add3A_768 = arith.addf %add3A_740, %get3A_767 : vector<16xf32>
      %get3A_769 = arith.constant 23 : i32
      %get3A_770 = arith.index_cast %select_n3A_109 : i32 to index
      %get3A_771 = arith.index_cast %get3A_769 : i32 to index
      %get3A_772 = arith.constant 0 : index
      %get3A_773 = tpu.vector_load %arg6[%get3A_770, %get3A_771, %get3A_772] {strides = array<i32>} : memref<8x56x64xf32, #tpu.memory_space<vmem>>, vector<1x1x16xf32>,
      %get3A_774 = vector.shape_cast %get3A_773 : vector<1x1x16xf32> to vector<16xf32>
      %add3A_775 = arith.addf %add3A_747, %get3A_774 : vector<16xf32>
      %get3A_776 = arith.constant 23 : i32
      %get3A_777 = arith.index_cast %select_n3A_109 : i32 to index
      %get3A_778 = arith.index_cast %get3A_776 : i32 to index
      %get3A_779 = arith.constant 16 : index
      %get3A_780 = tpu.vector_load %arg6[%get3A_777, %get3A_778, %get3A_779] {strides = array<i32>} : memref<8x56x64xf32, #tpu.memory_space<vmem>>, vector<1x1x16xf32>,
      %get3A_781 = vector.shape_cast %get3A_780 : vector<1x1x16xf32> to vector<16xf32>
      %add3A_782 = arith.addf %add3A_754, %get3A_781 : vector<16xf32>
      %get3A_783 = arith.constant 23 : i32
      %get3A_784 = arith.index_cast %select_n3A_109 : i32 to index
      %get3A_785 = arith.index_cast %get3A_783 : i32 to index
      %get3A_786 = arith.constant 32 : index
      %get3A_787 = tpu.vector_load %arg6[%get3A_784, %get3A_785, %get3A_786] {strides = array<i32>} : memref<8x56x64xf32, #tpu.memory_space<vmem>>, vector<1x1x16xf32>,
      %get3A_788 = vector.shape_cast %get3A_787 : vector<1x1x16xf32> to vector<16xf32>
      %add3A_789 = arith.addf %add3A_761, %get3A_788 : vector<16xf32>
      %get3A_790 = arith.constant 23 : i32
      %get3A_791 = arith.index_cast %select_n3A_109 : i32 to index
      %get3A_792 = arith.index_cast %get3A_790 : i32 to index
      %get3A_793 = arith.constant 48 : index
      %get3A_794 = tpu.vector_load %arg6[%get3A_791, %get3A_792, %get3A_793] {strides = array<i32>} : memref<8x56x64xf32, #tpu.memory_space<vmem>>, vector<1x1x16xf32>,
      %get3A_795 = vector.shape_cast %get3A_794 : vector<1x1x16xf32> to vector<16xf32>
      %add3A_796 = arith.addf %add3A_768, %get3A_795 : vector<16xf32>
      %get3A_797 = arith.constant 24 : i32
      %get3A_798 = arith.index_cast %select_n3A_109 : i32 to index
      %get3A_799 = arith.index_cast %get3A_797 : i32 to index
      %get3A_800 = arith.constant 0 : index
      %get3A_801 = tpu.vector_load %arg6[%get3A_798, %get3A_799, %get3A_800] {strides = array<i32>} : memref<8x56x64xf32, #tpu.memory_space<vmem>>, vector<1x1x16xf32>,
      %get3A_802 = vector.shape_cast %get3A_801 : vector<1x1x16xf32> to vector<16xf32>
      %add3A_803 = arith.addf %add3A_775, %get3A_802 : vector<16xf32>
      %get3A_804 = arith.constant 24 : i32
      %get3A_805 = arith.index_cast %select_n3A_109 : i32 to index
      %get3A_806 = arith.index_cast %get3A_804 : i32 to index
      %get3A_807 = arith.constant 16 : index
      %get3A_808 = tpu.vector_load %arg6[%get3A_805, %get3A_806, %get3A_807] {strides = array<i32>} : memref<8x56x64xf32, #tpu.memory_space<vmem>>, vector<1x1x16xf32>,
      %get3A_809 = vector.shape_cast %get3A_808 : vector<1x1x16xf32> to vector<16xf32>
      %add3A_810 = arith.addf %add3A_782, %get3A_809 : vector<16xf32>
      %get3A_811 = arith.constant 24 : i32
      %get3A_812 = arith.index_cast %select_n3A_109 : i32 to index
      %get3A_813 = arith.index_cast %get3A_811 : i32 to index
      %get3A_814 = arith.constant 32 : index
      %get3A_815 = tpu.vector_load %arg6[%get3A_812, %get3A_813, %get3A_814] {strides = array<i32>} : memref<8x56x64xf32, #tpu.memory_space<vmem>>, vector<1x1x16xf32>,
      %get3A_816 = vector.shape_cast %get3A_815 : vector<1x1x16xf32> to vector<16xf32>
      %add3A_817 = arith.addf %add3A_789, %get3A_816 : vector<16xf32>
      %get3A_818 = arith.constant 24 : i32
      %get3A_819 = arith.index_cast %select_n3A_109 : i32 to index
      %get3A_820 = arith.index_cast %get3A_818 : i32 to index
      %get3A_821 = arith.constant 48 : index
      %get3A_822 = tpu.vector_load %arg6[%get3A_819, %get3A_820, %get3A_821] {strides = array<i32>} : memref<8x56x64xf32, #tpu.memory_space<vmem>>, vector<1x1x16xf32>,
      %get3A_823 = vector.shape_cast %get3A_822 : vector<1x1x16xf32> to vector<16xf32>
      %add3A_824 = arith.addf %add3A_796, %get3A_823 : vector<16xf32>
      %get3A_825 = arith.constant 25 : i32
      %get3A_826 = arith.index_cast %select_n3A_109 : i32 to index
      %get3A_827 = arith.index_cast %get3A_825 : i32 to index
      %get3A_828 = arith.constant 0 : index
      %get3A_829 = tpu.vector_load %arg6[%get3A_826, %get3A_827, %get3A_828] {strides = array<i32>} : memref<8x56x64xf32, #tpu.memory_space<vmem>>, vector<1x1x16xf32>,
      %get3A_830 = vector.shape_cast %get3A_829 : vector<1x1x16xf32> to vector<16xf32>
      %add3A_831 = arith.addf %add3A_803, %get3A_830 : vector<16xf32>
      %get3A_832 = arith.constant 25 : i32
      %get3A_833 = arith.index_cast %select_n3A_109 : i32 to index
      %get3A_834 = arith.index_cast %get3A_832 : i32 to index
      %get3A_835 = arith.constant 16 : index
      %get3A_836 = tpu.vector_load %arg6[%get3A_833, %get3A_834, %get3A_835] {strides = array<i32>} : memref<8x56x64xf32, #tpu.memory_space<vmem>>, vector<1x1x16xf32>,
      %get3A_837 = vector.shape_cast %get3A_836 : vector<1x1x16xf32> to vector<16xf32>
      %add3A_838 = arith.addf %add3A_810, %get3A_837 : vector<16xf32>
      %get3A_839 = arith.constant 25 : i32
      %get3A_840 = arith.index_cast %select_n3A_109 : i32 to index
      %get3A_841 = arith.index_cast %get3A_839 : i32 to index
      %get3A_842 = arith.constant 32 : index
      %get3A_843 = tpu.vector_load %arg6[%get3A_840, %get3A_841, %get3A_842] {strides = array<i32>} : memref<8x56x64xf32, #tpu.memory_space<vmem>>, vector<1x1x16xf32>,
      %get3A_844 = vector.shape_cast %get3A_843 : vector<1x1x16xf32> to vector<16xf32>
      %add3A_845 = arith.addf %add3A_817, %get3A_844 : vector<16xf32>
      %get3A_846 = arith.constant 25 : i32
      %get3A_847 = arith.index_cast %select_n3A_109 : i32 to index
      %get3A_848 = arith.index_cast %get3A_846 : i32 to index
      %get3A_849 = arith.constant 48 : index
      %get3A_850 = tpu.vector_load %arg6[%get3A_847, %get3A_848, %get3A_849] {strides = array<i32>} : memref<8x56x64xf32, #tpu.memory_space<vmem>>, vector<1x1x16xf32>,
      %get3A_851 = vector.shape_cast %get3A_850 : vector<1x1x16xf32> to vector<16xf32>
      %add3A_852 = arith.addf %add3A_824, %get3A_851 : vector<16xf32>
      %get3A_853 = arith.constant 26 : i32
      %get3A_854 = arith.index_cast %select_n3A_109 : i32 to index
      %get3A_855 = arith.index_cast %get3A_853 : i32 to index
      %get3A_856 = arith.constant 0 : index
      %get3A_857 = tpu.vector_load %arg6[%get3A_854, %get3A_855, %get3A_856] {strides = array<i32>} : memref<8x56x64xf32, #tpu.memory_space<vmem>>, vector<1x1x16xf32>,
      %get3A_858 = vector.shape_cast %get3A_857 : vector<1x1x16xf32> to vector<16xf32>
      %add3A_859 = arith.addf %add3A_831, %get3A_858 : vector<16xf32>
      %get3A_860 = arith.constant 26 : i32
      %get3A_861 = arith.index_cast %select_n3A_109 : i32 to index
      %get3A_862 = arith.index_cast %get3A_860 : i32 to index
      %get3A_863 = arith.constant 16 : index
      %get3A_864 = tpu.vector_load %arg6[%get3A_861, %get3A_862, %get3A_863] {strides = array<i32>} : memref<8x56x64xf32, #tpu.memory_space<vmem>>, vector<1x1x16xf32>,
      %get3A_865 = vector.shape_cast %get3A_864 : vector<1x1x16xf32> to vector<16xf32>
      %add3A_866 = arith.addf %add3A_838, %get3A_865 : vector<16xf32>
      %get3A_867 = arith.constant 26 : i32
      %get3A_868 = arith.index_cast %select_n3A_109 : i32 to index
      %get3A_869 = arith.index_cast %get3A_867 : i32 to index
      %get3A_870 = arith.constant 32 : index
      %get3A_871 = tpu.vector_load %arg6[%get3A_868, %get3A_869, %get3A_870] {strides = array<i32>} : memref<8x56x64xf32, #tpu.memory_space<vmem>>, vector<1x1x16xf32>,
      %get3A_872 = vector.shape_cast %get3A_871 : vector<1x1x16xf32> to vector<16xf32>
      %add3A_873 = arith.addf %add3A_845, %get3A_872 : vector<16xf32>
      %get3A_874 = arith.constant 26 : i32
      %get3A_875 = arith.index_cast %select_n3A_109 : i32 to index
      %get3A_876 = arith.index_cast %get3A_874 : i32 to index
      %get3A_877 = arith.constant 48 : index
      %get3A_878 = tpu.vector_load %arg6[%get3A_875, %get3A_876, %get3A_877] {strides = array<i32>} : memref<8x56x64xf32, #tpu.memory_space<vmem>>, vector<1x1x16xf32>,
      %get3A_879 = vector.shape_cast %get3A_878 : vector<1x1x16xf32> to vector<16xf32>
      %add3A_880 = arith.addf %add3A_852, %get3A_879 : vector<16xf32>
      %get3A_881 = arith.constant 27 : i32
      %get3A_882 = arith.index_cast %select_n3A_109 : i32 to index
      %get3A_883 = arith.index_cast %get3A_881 : i32 to index
      %get3A_884 = arith.constant 0 : index
      %get3A_885 = tpu.vector_load %arg6[%get3A_882, %get3A_883, %get3A_884] {strides = array<i32>} : memref<8x56x64xf32, #tpu.memory_space<vmem>>, vector<1x1x16xf32>,
      %get3A_886 = vector.shape_cast %get3A_885 : vector<1x1x16xf32> to vector<16xf32>
      %add3A_887 = arith.addf %add3A_859, %get3A_886 : vector<16xf32>
      %get3A_888 = arith.constant 27 : i32
      %get3A_889 = arith.index_cast %select_n3A_109 : i32 to index
      %get3A_890 = arith.index_cast %get3A_888 : i32 to index
      %get3A_891 = arith.constant 16 : index
      %get3A_892 = tpu.vector_load %arg6[%get3A_889, %get3A_890, %get3A_891] {strides = array<i32>} : memref<8x56x64xf32, #tpu.memory_space<vmem>>, vector<1x1x16xf32>,
      %get3A_893 = vector.shape_cast %get3A_892 : vector<1x1x16xf32> to vector<16xf32>
      %add3A_894 = arith.addf %add3A_866, %get3A_893 : vector<16xf32>
      %get3A_895 = arith.constant 27 : i32
      %get3A_896 = arith.index_cast %select_n3A_109 : i32 to index
      %get3A_897 = arith.index_cast %get3A_895 : i32 to index
      %get3A_898 = arith.constant 32 : index
      %get3A_899 = tpu.vector_load %arg6[%get3A_896, %get3A_897, %get3A_898] {strides = array<i32>} : memref<8x56x64xf32, #tpu.memory_space<vmem>>, vector<1x1x16xf32>,
      %get3A_900 = vector.shape_cast %get3A_899 : vector<1x1x16xf32> to vector<16xf32>
      %add3A_901 = arith.addf %add3A_873, %get3A_900 : vector<16xf32>
      %get3A_902 = arith.constant 27 : i32
      %get3A_903 = arith.index_cast %select_n3A_109 : i32 to index
      %get3A_904 = arith.index_cast %get3A_902 : i32 to index
      %get3A_905 = arith.constant 48 : index
      %get3A_906 = tpu.vector_load %arg6[%get3A_903, %get3A_904, %get3A_905] {strides = array<i32>} : memref<8x56x64xf32, #tpu.memory_space<vmem>>, vector<1x1x16xf32>,
      %get3A_907 = vector.shape_cast %get3A_906 : vector<1x1x16xf32> to vector<16xf32>
      %add3A_908 = arith.addf %add3A_880, %get3A_907 : vector<16xf32>
      %get3A_909 = arith.constant 28 : i32
      %get3A_910 = arith.index_cast %select_n3A_109 : i32 to index
      %get3A_911 = arith.index_cast %get3A_909 : i32 to index
      %get3A_912 = arith.constant 0 : index
      %get3A_913 = tpu.vector_load %arg6[%get3A_910, %get3A_911, %get3A_912] {strides = array<i32>} : memref<8x56x64xf32, #tpu.memory_space<vmem>>, vector<1x1x16xf32>,
      %get3A_914 = vector.shape_cast %get3A_913 : vector<1x1x16xf32> to vector<16xf32>
      %add3A_915 = arith.addf %add3A_887, %get3A_914 : vector<16xf32>
      %get3A_916 = arith.constant 28 : i32
      %get3A_917 = arith.index_cast %select_n3A_109 : i32 to index
      %get3A_918 = arith.index_cast %get3A_916 : i32 to index
      %get3A_919 = arith.constant 16 : index
      %get3A_920 = tpu.vector_load %arg6[%get3A_917, %get3A_918, %get3A_919] {strides = array<i32>} : memref<8x56x64xf32, #tpu.memory_space<vmem>>, vector<1x1x16xf32>,
      %get3A_921 = vector.shape_cast %get3A_920 : vector<1x1x16xf32> to vector<16xf32>
      %add3A_922 = arith.addf %add3A_894, %get3A_921 : vector<16xf32>
      %get3A_923 = arith.constant 28 : i32
      %get3A_924 = arith.index_cast %select_n3A_109 : i32 to index
      %get3A_925 = arith.index_cast %get3A_923 : i32 to index
      %get3A_926 = arith.constant 32 : index
      %get3A_927 = tpu.vector_load %arg6[%get3A_924, %get3A_925, %get3A_926] {strides = array<i32>} : memref<8x56x64xf32, #tpu.memory_space<vmem>>, vector<1x1x16xf32>,
      %get3A_928 = vector.shape_cast %get3A_927 : vector<1x1x16xf32> to vector<16xf32>
      %add3A_929 = arith.addf %add3A_901, %get3A_928 : vector<16xf32>
      %get3A_930 = arith.constant 28 : i32
      %get3A_931 = arith.index_cast %select_n3A_109 : i32 to index
      %get3A_932 = arith.index_cast %get3A_930 : i32 to index
      %get3A_933 = arith.constant 48 : index
      %get3A_934 = tpu.vector_load %arg6[%get3A_931, %get3A_932, %get3A_933] {strides = array<i32>} : memref<8x56x64xf32, #tpu.memory_space<vmem>>, vector<1x1x16xf32>,
      %get3A_935 = vector.shape_cast %get3A_934 : vector<1x1x16xf32> to vector<16xf32>
      %add3A_936 = arith.addf %add3A_908, %get3A_935 : vector<16xf32>
      %get3A_937 = arith.constant 29 : i32
      %get3A_938 = arith.index_cast %select_n3A_109 : i32 to index
      %get3A_939 = arith.index_cast %get3A_937 : i32 to index
      %get3A_940 = arith.constant 0 : index
      %get3A_941 = tpu.vector_load %arg6[%get3A_938, %get3A_939, %get3A_940] {strides = array<i32>} : memref<8x56x64xf32, #tpu.memory_space<vmem>>, vector<1x1x16xf32>,
      %get3A_942 = vector.shape_cast %get3A_941 : vector<1x1x16xf32> to vector<16xf32>
      %add3A_943 = arith.addf %add3A_915, %get3A_942 : vector<16xf32>
      %get3A_944 = arith.constant 29 : i32
      %get3A_945 = arith.index_cast %select_n3A_109 : i32 to index
      %get3A_946 = arith.index_cast %get3A_944 : i32 to index
      %get3A_947 = arith.constant 16 : index
      %get3A_948 = tpu.vector_load %arg6[%get3A_945, %get3A_946, %get3A_947] {strides = array<i32>} : memref<8x56x64xf32, #tpu.memory_space<vmem>>, vector<1x1x16xf32>,
      %get3A_949 = vector.shape_cast %get3A_948 : vector<1x1x16xf32> to vector<16xf32>
      %add3A_950 = arith.addf %add3A_922, %get3A_949 : vector<16xf32>
      %get3A_951 = arith.constant 29 : i32
      %get3A_952 = arith.index_cast %select_n3A_109 : i32 to index
      %get3A_953 = arith.index_cast %get3A_951 : i32 to index
      %get3A_954 = arith.constant 32 : index
      %get3A_955 = tpu.vector_load %arg6[%get3A_952, %get3A_953, %get3A_954] {strides = array<i32>} : memref<8x56x64xf32, #tpu.memory_space<vmem>>, vector<1x1x16xf32>,
      %get3A_956 = vector.shape_cast %get3A_955 : vector<1x1x16xf32> to vector<16xf32>
      %add3A_957 = arith.addf %add3A_929, %get3A_956 : vector<16xf32>
      %get3A_958 = arith.constant 29 : i32
      %get3A_959 = arith.index_cast %select_n3A_109 : i32 to index
      %get3A_960 = arith.index_cast %get3A_958 : i32 to index
      %get3A_961 = arith.constant 48 : index
      %get3A_962 = tpu.vector_load %arg6[%get3A_959, %get3A_960, %get3A_961] {strides = array<i32>} : memref<8x56x64xf32, #tpu.memory_space<vmem>>, vector<1x1x16xf32>,
      %get3A_963 = vector.shape_cast %get3A_962 : vector<1x1x16xf32> to vector<16xf32>
      %add3A_964 = arith.addf %add3A_936, %get3A_963 : vector<16xf32>
      %get3A_965 = arith.constant 30 : i32
      %get3A_966 = arith.index_cast %select_n3A_109 : i32 to index
      %get3A_967 = arith.index_cast %get3A_965 : i32 to index
      %get3A_968 = arith.constant 0 : index
      %get3A_969 = tpu.vector_load %arg6[%get3A_966, %get3A_967, %get3A_968] {strides = array<i32>} : memref<8x56x64xf32, #tpu.memory_space<vmem>>, vector<1x1x16xf32>,
      %get3A_970 = vector.shape_cast %get3A_969 : vector<1x1x16xf32> to vector<16xf32>
      %add3A_971 = arith.addf %add3A_943, %get3A_970 : vector<16xf32>
      %get3A_972 = arith.constant 30 : i32
      %get3A_973 = arith.index_cast %select_n3A_109 : i32 to index
      %get3A_974 = arith.index_cast %get3A_972 : i32 to index
      %get3A_975 = arith.constant 16 : index
      %get3A_976 = tpu.vector_load %arg6[%get3A_973, %get3A_974, %get3A_975] {strides = array<i32>} : memref<8x56x64xf32, #tpu.memory_space<vmem>>, vector<1x1x16xf32>,
      %get3A_977 = vector.shape_cast %get3A_976 : vector<1x1x16xf32> to vector<16xf32>
      %add3A_978 = arith.addf %add3A_950, %get3A_977 : vector<16xf32>
      %get3A_979 = arith.constant 30 : i32
      %get3A_980 = arith.index_cast %select_n3A_109 : i32 to index
      %get3A_981 = arith.index_cast %get3A_979 : i32 to index
      %get3A_982 = arith.constant 32 : index
      %get3A_983 = tpu.vector_load %arg6[%get3A_980, %get3A_981, %get3A_982] {strides = array<i32>} : memref<8x56x64xf32, #tpu.memory_space<vmem>>, vector<1x1x16xf32>,
      %get3A_984 = vector.shape_cast %get3A_983 : vector<1x1x16xf32> to vector<16xf32>
      %add3A_985 = arith.addf %add3A_957, %get3A_984 : vector<16xf32>
      %get3A_986 = arith.constant 30 : i32
      %get3A_987 = arith.index_cast %select_n3A_109 : i32 to index
      %get3A_988 = arith.index_cast %get3A_986 : i32 to index
      %get3A_989 = arith.constant 48 : index
      %get3A_990 = tpu.vector_load %arg6[%get3A_987, %get3A_988, %get3A_989] {strides = array<i32>} : memref<8x56x64xf32, #tpu.memory_space<vmem>>, vector<1x1x16xf32>,
      %get3A_991 = vector.shape_cast %get3A_990 : vector<1x1x16xf32> to vector<16xf32>
      %add3A_992 = arith.addf %add3A_964, %get3A_991 : vector<16xf32>
      %get3A_993 = arith.constant 31 : i32
      %get3A_994 = arith.index_cast %select_n3A_109 : i32 to index
      %get3A_995 = arith.index_cast %get3A_993 : i32 to index
      %get3A_996 = arith.constant 0 : index
      %get3A_997 = tpu.vector_load %arg6[%get3A_994, %get3A_995, %get3A_996] {strides = array<i32>} : memref<8x56x64xf32, #tpu.memory_space<vmem>>, vector<1x1x16xf32>,
      %get3A_998 = vector.shape_cast %get3A_997 : vector<1x1x16xf32> to vector<16xf32>
      %add3A_999 = arith.addf %add3A_971, %get3A_998 : vector<16xf32>
      %get3A_1000 = arith.constant 31 : i32
      %get3A_1001 = arith.index_cast %select_n3A_109 : i32 to index
      %get3A_1002 = arith.index_cast %get3A_1000 : i32 to index
      %get3A_1003 = arith.constant 16 : index
      %get3A_1004 = tpu.vector_load %arg6[%get3A_1001, %get3A_1002, %get3A_1003] {strides = array<i32>} : memref<8x56x64xf32, #tpu.memory_space<vmem>>, vector<1x1x16xf32>,
      %get3A_1005 = vector.shape_cast %get3A_1004 : vector<1x1x16xf32> to vector<16xf32>
      %add3A_1006 = arith.addf %add3A_978, %get3A_1005 : vector<16xf32>
      %get3A_1007 = arith.constant 31 : i32
      %get3A_1008 = arith.index_cast %select_n3A_109 : i32 to index
      %get3A_1009 = arith.index_cast %get3A_1007 : i32 to index
      %get3A_1010 = arith.constant 32 : index
      %get3A_1011 = tpu.vector_load %arg6[%get3A_1008, %get3A_1009, %get3A_1010] {strides = array<i32>} : memref<8x56x64xf32, #tpu.memory_space<vmem>>, vector<1x1x16xf32>,
      %get3A_1012 = vector.shape_cast %get3A_1011 : vector<1x1x16xf32> to vector<16xf32>
      %add3A_1013 = arith.addf %add3A_985, %get3A_1012 : vector<16xf32>
      %get3A_1014 = arith.constant 31 : i32
      %get3A_1015 = arith.index_cast %select_n3A_109 : i32 to index
      %get3A_1016 = arith.index_cast %get3A_1014 : i32 to index
      %get3A_1017 = arith.constant 48 : index
      %get3A_1018 = tpu.vector_load %arg6[%get3A_1015, %get3A_1016, %get3A_1017] {strides = array<i32>} : memref<8x56x64xf32, #tpu.memory_space<vmem>>, vector<1x1x16xf32>,
      %get3A_1019 = vector.shape_cast %get3A_1018 : vector<1x1x16xf32> to vector<16xf32>
      %add3A_1020 = arith.addf %add3A_992, %get3A_1019 : vector<16xf32>
      %get3A_1021 = arith.constant 32 : i32
      %get3A_1022 = arith.index_cast %select_n3A_109 : i32 to index
      %get3A_1023 = arith.index_cast %get3A_1021 : i32 to index
      %get3A_1024 = arith.constant 0 : index
      %get3A_1025 = tpu.vector_load %arg6[%get3A_1022, %get3A_1023, %get3A_1024] {strides = array<i32>} : memref<8x56x64xf32, #tpu.memory_space<vmem>>, vector<1x1x16xf32>,
      %get3A_1026 = vector.shape_cast %get3A_1025 : vector<1x1x16xf32> to vector<16xf32>
      %add3A_1027 = arith.addf %add3A_999, %get3A_1026 : vector<16xf32>
      %get3A_1028 = arith.constant 32 : i32
      %get3A_1029 = arith.index_cast %select_n3A_109 : i32 to index
      %get3A_1030 = arith.index_cast %get3A_1028 : i32 to index
      %get3A_1031 = arith.constant 16 : index
      %get3A_1032 = tpu.vector_load %arg6[%get3A_1029, %get3A_1030, %get3A_1031] {strides = array<i32>} : memref<8x56x64xf32, #tpu.memory_space<vmem>>, vector<1x1x16xf32>,
      %get3A_1033 = vector.shape_cast %get3A_1032 : vector<1x1x16xf32> to vector<16xf32>
      %add3A_1034 = arith.addf %add3A_1006, %get3A_1033 : vector<16xf32>
      %get3A_1035 = arith.constant 32 : i32
      %get3A_1036 = arith.index_cast %select_n3A_109 : i32 to index
      %get3A_1037 = arith.index_cast %get3A_1035 : i32 to index
      %get3A_1038 = arith.constant 32 : index
      %get3A_1039 = tpu.vector_load %arg6[%get3A_1036, %get3A_1037, %get3A_1038] {strides = array<i32>} : memref<8x56x64xf32, #tpu.memory_space<vmem>>, vector<1x1x16xf32>,
      %get3A_1040 = vector.shape_cast %get3A_1039 : vector<1x1x16xf32> to vector<16xf32>
      %add3A_1041 = arith.addf %add3A_1013, %get3A_1040 : vector<16xf32>
      %get3A_1042 = arith.constant 32 : i32
      %get3A_1043 = arith.index_cast %select_n3A_109 : i32 to index
      %get3A_1044 = arith.index_cast %get3A_1042 : i32 to index
      %get3A_1045 = arith.constant 48 : index
      %get3A_1046 = tpu.vector_load %arg6[%get3A_1043, %get3A_1044, %get3A_1045] {strides = array<i32>} : memref<8x56x64xf32, #tpu.memory_space<vmem>>, vector<1x1x16xf32>,
      %get3A_1047 = vector.shape_cast %get3A_1046 : vector<1x1x16xf32> to vector<16xf32>
      %add3A_1048 = arith.addf %add3A_1020, %get3A_1047 : vector<16xf32>
      %get3A_1049 = arith.constant 33 : i32
      %get3A_1050 = arith.index_cast %select_n3A_109 : i32 to index
      %get3A_1051 = arith.index_cast %get3A_1049 : i32 to index
      %get3A_1052 = arith.constant 0 : index
      %get3A_1053 = tpu.vector_load %arg6[%get3A_1050, %get3A_1051, %get3A_1052] {strides = array<i32>} : memref<8x56x64xf32, #tpu.memory_space<vmem>>, vector<1x1x16xf32>,
      %get3A_1054 = vector.shape_cast %get3A_1053 : vector<1x1x16xf32> to vector<16xf32>
      %add3A_1055 = arith.addf %add3A_1027, %get3A_1054 : vector<16xf32>
      %get3A_1056 = arith.constant 33 : i32
      %get3A_1057 = arith.index_cast %select_n3A_109 : i32 to index
      %get3A_1058 = arith.index_cast %get3A_1056 : i32 to index
      %get3A_1059 = arith.constant 16 : index
      %get3A_1060 = tpu.vector_load %arg6[%get3A_1057, %get3A_1058, %get3A_1059] {strides = array<i32>} : memref<8x56x64xf32, #tpu.memory_space<vmem>>, vector<1x1x16xf32>,
      %get3A_1061 = vector.shape_cast %get3A_1060 : vector<1x1x16xf32> to vector<16xf32>
      %add3A_1062 = arith.addf %add3A_1034, %get3A_1061 : vector<16xf32>
      %get3A_1063 = arith.constant 33 : i32
      %get3A_1064 = arith.index_cast %select_n3A_109 : i32 to index
      %get3A_1065 = arith.index_cast %get3A_1063 : i32 to index
      %get3A_1066 = arith.constant 32 : index
      %get3A_1067 = tpu.vector_load %arg6[%get3A_1064, %get3A_1065, %get3A_1066] {strides = array<i32>} : memref<8x56x64xf32, #tpu.memory_space<vmem>>, vector<1x1x16xf32>,
      %get3A_1068 = vector.shape_cast %get3A_1067 : vector<1x1x16xf32> to vector<16xf32>
      %add3A_1069 = arith.addf %add3A_1041, %get3A_1068 : vector<16xf32>
      %get3A_1070 = arith.constant 33 : i32
      %get3A_1071 = arith.index_cast %select_n3A_109 : i32 to index
      %get3A_1072 = arith.index_cast %get3A_1070 : i32 to index
      %get3A_1073 = arith.constant 48 : index
      %get3A_1074 = tpu.vector_load %arg6[%get3A_1071, %get3A_1072, %get3A_1073] {strides = array<i32>} : memref<8x56x64xf32, #tpu.memory_space<vmem>>, vector<1x1x16xf32>,
      %get3A_1075 = vector.shape_cast %get3A_1074 : vector<1x1x16xf32> to vector<16xf32>
      %add3A_1076 = arith.addf %add3A_1048, %get3A_1075 : vector<16xf32>
      %get3A_1077 = arith.constant 34 : i32
      %get3A_1078 = arith.index_cast %select_n3A_109 : i32 to index
      %get3A_1079 = arith.index_cast %get3A_1077 : i32 to index
      %get3A_1080 = arith.constant 0 : index
      %get3A_1081 = tpu.vector_load %arg6[%get3A_1078, %get3A_1079, %get3A_1080] {strides = array<i32>} : memref<8x56x64xf32, #tpu.memory_space<vmem>>, vector<1x1x16xf32>,
      %get3A_1082 = vector.shape_cast %get3A_1081 : vector<1x1x16xf32> to vector<16xf32>
      %add3A_1083 = arith.addf %add3A_1055, %get3A_1082 : vector<16xf32>
      %get3A_1084 = arith.constant 34 : i32
      %get3A_1085 = arith.index_cast %select_n3A_109 : i32 to index
      %get3A_1086 = arith.index_cast %get3A_1084 : i32 to index
      %get3A_1087 = arith.constant 16 : index
      %get3A_1088 = tpu.vector_load %arg6[%get3A_1085, %get3A_1086, %get3A_1087] {strides = array<i32>} : memref<8x56x64xf32, #tpu.memory_space<vmem>>, vector<1x1x16xf32>,
      %get3A_1089 = vector.shape_cast %get3A_1088 : vector<1x1x16xf32> to vector<16xf32>
      %add3A_1090 = arith.addf %add3A_1062, %get3A_1089 : vector<16xf32>
      %get3A_1091 = arith.constant 34 : i32
      %get3A_1092 = arith.index_cast %select_n3A_109 : i32 to index
      %get3A_1093 = arith.index_cast %get3A_1091 : i32 to index
      %get3A_1094 = arith.constant 32 : index
      %get3A_1095 = tpu.vector_load %arg6[%get3A_1092, %get3A_1093, %get3A_1094] {strides = array<i32>} : memref<8x56x64xf32, #tpu.memory_space<vmem>>, vector<1x1x16xf32>,
      %get3A_1096 = vector.shape_cast %get3A_1095 : vector<1x1x16xf32> to vector<16xf32>
      %add3A_1097 = arith.addf %add3A_1069, %get3A_1096 : vector<16xf32>
      %get3A_1098 = arith.constant 34 : i32
      %get3A_1099 = arith.index_cast %select_n3A_109 : i32 to index
      %get3A_1100 = arith.index_cast %get3A_1098 : i32 to index
      %get3A_1101 = arith.constant 48 : index
      %get3A_1102 = tpu.vector_load %arg6[%get3A_1099, %get3A_1100, %get3A_1101] {strides = array<i32>} : memref<8x56x64xf32, #tpu.memory_space<vmem>>, vector<1x1x16xf32>,
      %get3A_1103 = vector.shape_cast %get3A_1102 : vector<1x1x16xf32> to vector<16xf32>
      %add3A_1104 = arith.addf %add3A_1076, %get3A_1103 : vector<16xf32>
      %get3A_1105 = arith.constant 35 : i32
      %get3A_1106 = arith.index_cast %select_n3A_109 : i32 to index
      %get3A_1107 = arith.index_cast %get3A_1105 : i32 to index
      %get3A_1108 = arith.constant 0 : index
      %get3A_1109 = tpu.vector_load %arg6[%get3A_1106, %get3A_1107, %get3A_1108] {strides = array<i32>} : memref<8x56x64xf32, #tpu.memory_space<vmem>>, vector<1x1x16xf32>,
      %get3A_1110 = vector.shape_cast %get3A_1109 : vector<1x1x16xf32> to vector<16xf32>
      %add3A_1111 = arith.addf %add3A_1083, %get3A_1110 : vector<16xf32>
      %get3A_1112 = arith.constant 35 : i32
      %get3A_1113 = arith.index_cast %select_n3A_109 : i32 to index
      %get3A_1114 = arith.index_cast %get3A_1112 : i32 to index
      %get3A_1115 = arith.constant 16 : index
      %get3A_1116 = tpu.vector_load %arg6[%get3A_1113, %get3A_1114, %get3A_1115] {strides = array<i32>} : memref<8x56x64xf32, #tpu.memory_space<vmem>>, vector<1x1x16xf32>,
      %get3A_1117 = vector.shape_cast %get3A_1116 : vector<1x1x16xf32> to vector<16xf32>
      %add3A_1118 = arith.addf %add3A_1090, %get3A_1117 : vector<16xf32>
      %get3A_1119 = arith.constant 35 : i32
      %get3A_1120 = arith.index_cast %select_n3A_109 : i32 to index
      %get3A_1121 = arith.index_cast %get3A_1119 : i32 to index
      %get3A_1122 = arith.constant 32 : index
      %get3A_1123 = tpu.vector_load %arg6[%get3A_1120, %get3A_1121, %get3A_1122] {strides = array<i32>} : memref<8x56x64xf32, #tpu.memory_space<vmem>>, vector<1x1x16xf32>,
      %get3A_1124 = vector.shape_cast %get3A_1123 : vector<1x1x16xf32> to vector<16xf32>
      %add3A_1125 = arith.addf %add3A_1097, %get3A_1124 : vector<16xf32>
      %get3A_1126 = arith.constant 35 : i32
      %get3A_1127 = arith.index_cast %select_n3A_109 : i32 to index
      %get3A_1128 = arith.index_cast %get3A_1126 : i32 to index
      %get3A_1129 = arith.constant 48 : index
      %get3A_1130 = tpu.vector_load %arg6[%get3A_1127, %get3A_1128, %get3A_1129] {strides = array<i32>} : memref<8x56x64xf32, #tpu.memory_space<vmem>>, vector<1x1x16xf32>,
      %get3A_1131 = vector.shape_cast %get3A_1130 : vector<1x1x16xf32> to vector<16xf32>
      %add3A_1132 = arith.addf %add3A_1104, %get3A_1131 : vector<16xf32>
      %get3A_1133 = arith.constant 36 : i32
      %get3A_1134 = arith.index_cast %select_n3A_109 : i32 to index
      %get3A_1135 = arith.index_cast %get3A_1133 : i32 to index
      %get3A_1136 = arith.constant 0 : index
      %get3A_1137 = tpu.vector_load %arg6[%get3A_1134, %get3A_1135, %get3A_1136] {strides = array<i32>} : memref<8x56x64xf32, #tpu.memory_space<vmem>>, vector<1x1x16xf32>,
      %get3A_1138 = vector.shape_cast %get3A_1137 : vector<1x1x16xf32> to vector<16xf32>
      %add3A_1139 = arith.addf %add3A_1111, %get3A_1138 : vector<16xf32>
      %get3A_1140 = arith.constant 36 : i32
      %get3A_1141 = arith.index_cast %select_n3A_109 : i32 to index
      %get3A_1142 = arith.index_cast %get3A_1140 : i32 to index
      %get3A_1143 = arith.constant 16 : index
      %get3A_1144 = tpu.vector_load %arg6[%get3A_1141, %get3A_1142, %get3A_1143] {strides = array<i32>} : memref<8x56x64xf32, #tpu.memory_space<vmem>>, vector<1x1x16xf32>,
      %get3A_1145 = vector.shape_cast %get3A_1144 : vector<1x1x16xf32> to vector<16xf32>
      %add3A_1146 = arith.addf %add3A_1118, %get3A_1145 : vector<16xf32>
      %get3A_1147 = arith.constant 36 : i32
      %get3A_1148 = arith.index_cast %select_n3A_109 : i32 to index
      %get3A_1149 = arith.index_cast %get3A_1147 : i32 to index
      %get3A_1150 = arith.constant 32 : index
      %get3A_1151 = tpu.vector_load %arg6[%get3A_1148, %get3A_1149, %get3A_1150] {strides = array<i32>} : memref<8x56x64xf32, #tpu.memory_space<vmem>>, vector<1x1x16xf32>,
      %get3A_1152 = vector.shape_cast %get3A_1151 : vector<1x1x16xf32> to vector<16xf32>
      %add3A_1153 = arith.addf %add3A_1125, %get3A_1152 : vector<16xf32>
      %get3A_1154 = arith.constant 36 : i32
      %get3A_1155 = arith.index_cast %select_n3A_109 : i32 to index
      %get3A_1156 = arith.index_cast %get3A_1154 : i32 to index
      %get3A_1157 = arith.constant 48 : index
      %get3A_1158 = tpu.vector_load %arg6[%get3A_1155, %get3A_1156, %get3A_1157] {strides = array<i32>} : memref<8x56x64xf32, #tpu.memory_space<vmem>>, vector<1x1x16xf32>,
      %get3A_1159 = vector.shape_cast %get3A_1158 : vector<1x1x16xf32> to vector<16xf32>
      %add3A_1160 = arith.addf %add3A_1132, %get3A_1159 : vector<16xf32>
      %get3A_1161 = arith.constant 37 : i32
      %get3A_1162 = arith.index_cast %select_n3A_109 : i32 to index
      %get3A_1163 = arith.index_cast %get3A_1161 : i32 to index
      %get3A_1164 = arith.constant 0 : index
      %get3A_1165 = tpu.vector_load %arg6[%get3A_1162, %get3A_1163, %get3A_1164] {strides = array<i32>} : memref<8x56x64xf32, #tpu.memory_space<vmem>>, vector<1x1x16xf32>,
      %get3A_1166 = vector.shape_cast %get3A_1165 : vector<1x1x16xf32> to vector<16xf32>
      %add3A_1167 = arith.addf %add3A_1139, %get3A_1166 : vector<16xf32>
      %get3A_1168 = arith.constant 37 : i32
      %get3A_1169 = arith.index_cast %select_n3A_109 : i32 to index
      %get3A_1170 = arith.index_cast %get3A_1168 : i32 to index
      %get3A_1171 = arith.constant 16 : index
      %get3A_1172 = tpu.vector_load %arg6[%get3A_1169, %get3A_1170, %get3A_1171] {strides = array<i32>} : memref<8x56x64xf32, #tpu.memory_space<vmem>>, vector<1x1x16xf32>,
      %get3A_1173 = vector.shape_cast %get3A_1172 : vector<1x1x16xf32> to vector<16xf32>
      %add3A_1174 = arith.addf %add3A_1146, %get3A_1173 : vector<16xf32>
      %get3A_1175 = arith.constant 37 : i32
      %get3A_1176 = arith.index_cast %select_n3A_109 : i32 to index
      %get3A_1177 = arith.index_cast %get3A_1175 : i32 to index
      %get3A_1178 = arith.constant 32 : index
      %get3A_1179 = tpu.vector_load %arg6[%get3A_1176, %get3A_1177, %get3A_1178] {strides = array<i32>} : memref<8x56x64xf32, #tpu.memory_space<vmem>>, vector<1x1x16xf32>,
      %get3A_1180 = vector.shape_cast %get3A_1179 : vector<1x1x16xf32> to vector<16xf32>
      %add3A_1181 = arith.addf %add3A_1153, %get3A_1180 : vector<16xf32>
      %get3A_1182 = arith.constant 37 : i32
      %get3A_1183 = arith.index_cast %select_n3A_109 : i32 to index
      %get3A_1184 = arith.index_cast %get3A_1182 : i32 to index
      %get3A_1185 = arith.constant 48 : index
      %get3A_1186 = tpu.vector_load %arg6[%get3A_1183, %get3A_1184, %get3A_1185] {strides = array<i32>} : memref<8x56x64xf32, #tpu.memory_space<vmem>>, vector<1x1x16xf32>,
      %get3A_1187 = vector.shape_cast %get3A_1186 : vector<1x1x16xf32> to vector<16xf32>
      %add3A_1188 = arith.addf %add3A_1160, %get3A_1187 : vector<16xf32>
      %get3A_1189 = arith.constant 38 : i32
      %get3A_1190 = arith.index_cast %select_n3A_109 : i32 to index
      %get3A_1191 = arith.index_cast %get3A_1189 : i32 to index
      %get3A_1192 = arith.constant 0 : index
      %get3A_1193 = tpu.vector_load %arg6[%get3A_1190, %get3A_1191, %get3A_1192] {strides = array<i32>} : memref<8x56x64xf32, #tpu.memory_space<vmem>>, vector<1x1x16xf32>,
      %get3A_1194 = vector.shape_cast %get3A_1193 : vector<1x1x16xf32> to vector<16xf32>
      %add3A_1195 = arith.addf %add3A_1167, %get3A_1194 : vector<16xf32>
      %get3A_1196 = arith.constant 38 : i32
      %get3A_1197 = arith.index_cast %select_n3A_109 : i32 to index
      %get3A_1198 = arith.index_cast %get3A_1196 : i32 to index
      %get3A_1199 = arith.constant 16 : index
      %get3A_1200 = tpu.vector_load %arg6[%get3A_1197, %get3A_1198, %get3A_1199] {strides = array<i32>} : memref<8x56x64xf32, #tpu.memory_space<vmem>>, vector<1x1x16xf32>,
      %get3A_1201 = vector.shape_cast %get3A_1200 : vector<1x1x16xf32> to vector<16xf32>
      %add3A_1202 = arith.addf %add3A_1174, %get3A_1201 : vector<16xf32>
      %get3A_1203 = arith.constant 38 : i32
      %get3A_1204 = arith.index_cast %select_n3A_109 : i32 to index
      %get3A_1205 = arith.index_cast %get3A_1203 : i32 to index
      %get3A_1206 = arith.constant 32 : index
      %get3A_1207 = tpu.vector_load %arg6[%get3A_1204, %get3A_1205, %get3A_1206] {strides = array<i32>} : memref<8x56x64xf32, #tpu.memory_space<vmem>>, vector<1x1x16xf32>,
      %get3A_1208 = vector.shape_cast %get3A_1207 : vector<1x1x16xf32> to vector<16xf32>
      %add3A_1209 = arith.addf %add3A_1181, %get3A_1208 : vector<16xf32>
      %get3A_1210 = arith.constant 38 : i32
      %get3A_1211 = arith.index_cast %select_n3A_109 : i32 to index
      %get3A_1212 = arith.index_cast %get3A_1210 : i32 to index
      %get3A_1213 = arith.constant 48 : index
      %get3A_1214 = tpu.vector_load %arg6[%get3A_1211, %get3A_1212, %get3A_1213] {strides = array<i32>} : memref<8x56x64xf32, #tpu.memory_space<vmem>>, vector<1x1x16xf32>,
      %get3A_1215 = vector.shape_cast %get3A_1214 : vector<1x1x16xf32> to vector<16xf32>
      %add3A_1216 = arith.addf %add3A_1188, %get3A_1215 : vector<16xf32>
      %get3A_1217 = arith.constant 39 : i32
      %get3A_1218 = arith.index_cast %select_n3A_109 : i32 to index
      %get3A_1219 = arith.index_cast %get3A_1217 : i32 to index
      %get3A_1220 = arith.constant 0 : index
      %get3A_1221 = tpu.vector_load %arg6[%get3A_1218, %get3A_1219, %get3A_1220] {strides = array<i32>} : memref<8x56x64xf32, #tpu.memory_space<vmem>>, vector<1x1x16xf32>,
      %get3A_1222 = vector.shape_cast %get3A_1221 : vector<1x1x16xf32> to vector<16xf32>
      %add3A_1223 = arith.addf %add3A_1195, %get3A_1222 : vector<16xf32>
      %get3A_1224 = arith.constant 39 : i32
      %get3A_1225 = arith.index_cast %select_n3A_109 : i32 to index
      %get3A_1226 = arith.index_cast %get3A_1224 : i32 to index
      %get3A_1227 = arith.constant 16 : index
      %get3A_1228 = tpu.vector_load %arg6[%get3A_1225, %get3A_1226, %get3A_1227] {strides = array<i32>} : memref<8x56x64xf32, #tpu.memory_space<vmem>>, vector<1x1x16xf32>,
      %get3A_1229 = vector.shape_cast %get3A_1228 : vector<1x1x16xf32> to vector<16xf32>
      %add3A_1230 = arith.addf %add3A_1202, %get3A_1229 : vector<16xf32>
      %get3A_1231 = arith.constant 39 : i32
      %get3A_1232 = arith.index_cast %select_n3A_109 : i32 to index
      %get3A_1233 = arith.index_cast %get3A_1231 : i32 to index
      %get3A_1234 = arith.constant 32 : index
      %get3A_1235 = tpu.vector_load %arg6[%get3A_1232, %get3A_1233, %get3A_1234] {strides = array<i32>} : memref<8x56x64xf32, #tpu.memory_space<vmem>>, vector<1x1x16xf32>,
      %get3A_1236 = vector.shape_cast %get3A_1235 : vector<1x1x16xf32> to vector<16xf32>
      %add3A_1237 = arith.addf %add3A_1209, %get3A_1236 : vector<16xf32>
      %get3A_1238 = arith.constant 39 : i32
      %get3A_1239 = arith.index_cast %select_n3A_109 : i32 to index
      %get3A_1240 = arith.index_cast %get3A_1238 : i32 to index
      %get3A_1241 = arith.constant 48 : index
      %get3A_1242 = tpu.vector_load %arg6[%get3A_1239, %get3A_1240, %get3A_1241] {strides = array<i32>} : memref<8x56x64xf32, #tpu.memory_space<vmem>>, vector<1x1x16xf32>,
      %get3A_1243 = vector.shape_cast %get3A_1242 : vector<1x1x16xf32> to vector<16xf32>
      %add3A_1244 = arith.addf %add3A_1216, %get3A_1243 : vector<16xf32>
      %get3A_1245 = arith.constant 40 : i32
      %get3A_1246 = arith.index_cast %select_n3A_109 : i32 to index
      %get3A_1247 = arith.index_cast %get3A_1245 : i32 to index
      %get3A_1248 = arith.constant 0 : index
      %get3A_1249 = tpu.vector_load %arg6[%get3A_1246, %get3A_1247, %get3A_1248] {strides = array<i32>} : memref<8x56x64xf32, #tpu.memory_space<vmem>>, vector<1x1x16xf32>,
      %get3A_1250 = vector.shape_cast %get3A_1249 : vector<1x1x16xf32> to vector<16xf32>
      %add3A_1251 = arith.addf %add3A_1223, %get3A_1250 : vector<16xf32>
      %get3A_1252 = arith.constant 40 : i32
      %get3A_1253 = arith.index_cast %select_n3A_109 : i32 to index
      %get3A_1254 = arith.index_cast %get3A_1252 : i32 to index
      %get3A_1255 = arith.constant 16 : index
      %get3A_1256 = tpu.vector_load %arg6[%get3A_1253, %get3A_1254, %get3A_1255] {strides = array<i32>} : memref<8x56x64xf32, #tpu.memory_space<vmem>>, vector<1x1x16xf32>,
      %get3A_1257 = vector.shape_cast %get3A_1256 : vector<1x1x16xf32> to vector<16xf32>
      %add3A_1258 = arith.addf %add3A_1230, %get3A_1257 : vector<16xf32>
      %get3A_1259 = arith.constant 40 : i32
      %get3A_1260 = arith.index_cast %select_n3A_109 : i32 to index
      %get3A_1261 = arith.index_cast %get3A_1259 : i32 to index
      %get3A_1262 = arith.constant 32 : index
      %get3A_1263 = tpu.vector_load %arg6[%get3A_1260, %get3A_1261, %get3A_1262] {strides = array<i32>} : memref<8x56x64xf32, #tpu.memory_space<vmem>>, vector<1x1x16xf32>,
      %get3A_1264 = vector.shape_cast %get3A_1263 : vector<1x1x16xf32> to vector<16xf32>
      %add3A_1265 = arith.addf %add3A_1237, %get3A_1264 : vector<16xf32>
      %get3A_1266 = arith.constant 40 : i32
      %get3A_1267 = arith.index_cast %select_n3A_109 : i32 to index
      %get3A_1268 = arith.index_cast %get3A_1266 : i32 to index
      %get3A_1269 = arith.constant 48 : index
      %get3A_1270 = tpu.vector_load %arg6[%get3A_1267, %get3A_1268, %get3A_1269] {strides = array<i32>} : memref<8x56x64xf32, #tpu.memory_space<vmem>>, vector<1x1x16xf32>,
      %get3A_1271 = vector.shape_cast %get3A_1270 : vector<1x1x16xf32> to vector<16xf32>
      %add3A_1272 = arith.addf %add3A_1244, %get3A_1271 : vector<16xf32>
      %get3A_1273 = arith.constant 41 : i32
      %get3A_1274 = arith.index_cast %select_n3A_109 : i32 to index
      %get3A_1275 = arith.index_cast %get3A_1273 : i32 to index
      %get3A_1276 = arith.constant 0 : index
      %get3A_1277 = tpu.vector_load %arg6[%get3A_1274, %get3A_1275, %get3A_1276] {strides = array<i32>} : memref<8x56x64xf32, #tpu.memory_space<vmem>>, vector<1x1x16xf32>,
      %get3A_1278 = vector.shape_cast %get3A_1277 : vector<1x1x16xf32> to vector<16xf32>
      %add3A_1279 = arith.addf %add3A_1251, %get3A_1278 : vector<16xf32>
      %get3A_1280 = arith.constant 41 : i32
      %get3A_1281 = arith.index_cast %select_n3A_109 : i32 to index
      %get3A_1282 = arith.index_cast %get3A_1280 : i32 to index
      %get3A_1283 = arith.constant 16 : index
      %get3A_1284 = tpu.vector_load %arg6[%get3A_1281, %get3A_1282, %get3A_1283] {strides = array<i32>} : memref<8x56x64xf32, #tpu.memory_space<vmem>>, vector<1x1x16xf32>,
      %get3A_1285 = vector.shape_cast %get3A_1284 : vector<1x1x16xf32> to vector<16xf32>
      %add3A_1286 = arith.addf %add3A_1258, %get3A_1285 : vector<16xf32>
      %get3A_1287 = arith.constant 41 : i32
      %get3A_1288 = arith.index_cast %select_n3A_109 : i32 to index
      %get3A_1289 = arith.index_cast %get3A_1287 : i32 to index
      %get3A_1290 = arith.constant 32 : index
      %get3A_1291 = tpu.vector_load %arg6[%get3A_1288, %get3A_1289, %get3A_1290] {strides = array<i32>} : memref<8x56x64xf32, #tpu.memory_space<vmem>>, vector<1x1x16xf32>,
      %get3A_1292 = vector.shape_cast %get3A_1291 : vector<1x1x16xf32> to vector<16xf32>
      %add3A_1293 = arith.addf %add3A_1265, %get3A_1292 : vector<16xf32>
      %get3A_1294 = arith.constant 41 : i32
      %get3A_1295 = arith.index_cast %select_n3A_109 : i32 to index
      %get3A_1296 = arith.index_cast %get3A_1294 : i32 to index
      %get3A_1297 = arith.constant 48 : index
      %get3A_1298 = tpu.vector_load %arg6[%get3A_1295, %get3A_1296, %get3A_1297] {strides = array<i32>} : memref<8x56x64xf32, #tpu.memory_space<vmem>>, vector<1x1x16xf32>,
      %get3A_1299 = vector.shape_cast %get3A_1298 : vector<1x1x16xf32> to vector<16xf32>
      %add3A_1300 = arith.addf %add3A_1272, %get3A_1299 : vector<16xf32>
      %get3A_1301 = arith.constant 42 : i32
      %get3A_1302 = arith.index_cast %select_n3A_109 : i32 to index
      %get3A_1303 = arith.index_cast %get3A_1301 : i32 to index
      %get3A_1304 = arith.constant 0 : index
      %get3A_1305 = tpu.vector_load %arg6[%get3A_1302, %get3A_1303, %get3A_1304] {strides = array<i32>} : memref<8x56x64xf32, #tpu.memory_space<vmem>>, vector<1x1x16xf32>,
      %get3A_1306 = vector.shape_cast %get3A_1305 : vector<1x1x16xf32> to vector<16xf32>
      %add3A_1307 = arith.addf %add3A_1279, %get3A_1306 : vector<16xf32>
      %get3A_1308 = arith.constant 42 : i32
      %get3A_1309 = arith.index_cast %select_n3A_109 : i32 to index
      %get3A_1310 = arith.index_cast %get3A_1308 : i32 to index
      %get3A_1311 = arith.constant 16 : index
      %get3A_1312 = tpu.vector_load %arg6[%get3A_1309, %get3A_1310, %get3A_1311] {strides = array<i32>} : memref<8x56x64xf32, #tpu.memory_space<vmem>>, vector<1x1x16xf32>,
      %get3A_1313 = vector.shape_cast %get3A_1312 : vector<1x1x16xf32> to vector<16xf32>
      %add3A_1314 = arith.addf %add3A_1286, %get3A_1313 : vector<16xf32>
      %get3A_1315 = arith.constant 42 : i32
      %get3A_1316 = arith.index_cast %select_n3A_109 : i32 to index
      %get3A_1317 = arith.index_cast %get3A_1315 : i32 to index
      %get3A_1318 = arith.constant 32 : index
      %get3A_1319 = tpu.vector_load %arg6[%get3A_1316, %get3A_1317, %get3A_1318] {strides = array<i32>} : memref<8x56x64xf32, #tpu.memory_space<vmem>>, vector<1x1x16xf32>,
      %get3A_1320 = vector.shape_cast %get3A_1319 : vector<1x1x16xf32> to vector<16xf32>
      %add3A_1321 = arith.addf %add3A_1293, %get3A_1320 : vector<16xf32>
      %get3A_1322 = arith.constant 42 : i32
      %get3A_1323 = arith.index_cast %select_n3A_109 : i32 to index
      %get3A_1324 = arith.index_cast %get3A_1322 : i32 to index
      %get3A_1325 = arith.constant 48 : index
      %get3A_1326 = tpu.vector_load %arg6[%get3A_1323, %get3A_1324, %get3A_1325] {strides = array<i32>} : memref<8x56x64xf32, #tpu.memory_space<vmem>>, vector<1x1x16xf32>,
      %get3A_1327 = vector.shape_cast %get3A_1326 : vector<1x1x16xf32> to vector<16xf32>
      %add3A_1328 = arith.addf %add3A_1300, %get3A_1327 : vector<16xf32>
      %get3A_1329 = arith.constant 43 : i32
      %get3A_1330 = arith.index_cast %select_n3A_109 : i32 to index
      %get3A_1331 = arith.index_cast %get3A_1329 : i32 to index
      %get3A_1332 = arith.constant 0 : index
      %get3A_1333 = tpu.vector_load %arg6[%get3A_1330, %get3A_1331, %get3A_1332] {strides = array<i32>} : memref<8x56x64xf32, #tpu.memory_space<vmem>>, vector<1x1x16xf32>,
      %get3A_1334 = vector.shape_cast %get3A_1333 : vector<1x1x16xf32> to vector<16xf32>
      %add3A_1335 = arith.addf %add3A_1307, %get3A_1334 : vector<16xf32>
      %get3A_1336 = arith.constant 43 : i32
      %get3A_1337 = arith.index_cast %select_n3A_109 : i32 to index
      %get3A_1338 = arith.index_cast %get3A_1336 : i32 to index
      %get3A_1339 = arith.constant 16 : index
      %get3A_1340 = tpu.vector_load %arg6[%get3A_1337, %get3A_1338, %get3A_1339] {strides = array<i32>} : memref<8x56x64xf32, #tpu.memory_space<vmem>>, vector<1x1x16xf32>,
      %get3A_1341 = vector.shape_cast %get3A_1340 : vector<1x1x16xf32> to vector<16xf32>
      %add3A_1342 = arith.addf %add3A_1314, %get3A_1341 : vector<16xf32>
      %get3A_1343 = arith.constant 43 : i32
      %get3A_1344 = arith.index_cast %select_n3A_109 : i32 to index
      %get3A_1345 = arith.index_cast %get3A_1343 : i32 to index
      %get3A_1346 = arith.constant 32 : index
      %get3A_1347 = tpu.vector_load %arg6[%get3A_1344, %get3A_1345, %get3A_1346] {strides = array<i32>} : memref<8x56x64xf32, #tpu.memory_space<vmem>>, vector<1x1x16xf32>,
      %get3A_1348 = vector.shape_cast %get3A_1347 : vector<1x1x16xf32> to vector<16xf32>
      %add3A_1349 = arith.addf %add3A_1321, %get3A_1348 : vector<16xf32>
      %get3A_1350 = arith.constant 43 : i32
      %get3A_1351 = arith.index_cast %select_n3A_109 : i32 to index
      %get3A_1352 = arith.index_cast %get3A_1350 : i32 to index
      %get3A_1353 = arith.constant 48 : index
      %get3A_1354 = tpu.vector_load %arg6[%get3A_1351, %get3A_1352, %get3A_1353] {strides = array<i32>} : memref<8x56x64xf32, #tpu.memory_space<vmem>>, vector<1x1x16xf32>,
      %get3A_1355 = vector.shape_cast %get3A_1354 : vector<1x1x16xf32> to vector<16xf32>
      %add3A_1356 = arith.addf %add3A_1328, %get3A_1355 : vector<16xf32>
      %get3A_1357 = arith.constant 44 : i32
      %get3A_1358 = arith.index_cast %select_n3A_109 : i32 to index
      %get3A_1359 = arith.index_cast %get3A_1357 : i32 to index
      %get3A_1360 = arith.constant 0 : index
      %get3A_1361 = tpu.vector_load %arg6[%get3A_1358, %get3A_1359, %get3A_1360] {strides = array<i32>} : memref<8x56x64xf32, #tpu.memory_space<vmem>>, vector<1x1x16xf32>,
      %get3A_1362 = vector.shape_cast %get3A_1361 : vector<1x1x16xf32> to vector<16xf32>
      %add3A_1363 = arith.addf %add3A_1335, %get3A_1362 : vector<16xf32>
      %get3A_1364 = arith.constant 44 : i32
      %get3A_1365 = arith.index_cast %select_n3A_109 : i32 to index
      %get3A_1366 = arith.index_cast %get3A_1364 : i32 to index
      %get3A_1367 = arith.constant 16 : index
      %get3A_1368 = tpu.vector_load %arg6[%get3A_1365, %get3A_1366, %get3A_1367] {strides = array<i32>} : memref<8x56x64xf32, #tpu.memory_space<vmem>>, vector<1x1x16xf32>,
      %get3A_1369 = vector.shape_cast %get3A_1368 : vector<1x1x16xf32> to vector<16xf32>
      %add3A_1370 = arith.addf %add3A_1342, %get3A_1369 : vector<16xf32>
      %get3A_1371 = arith.constant 44 : i32
      %get3A_1372 = arith.index_cast %select_n3A_109 : i32 to index
      %get3A_1373 = arith.index_cast %get3A_1371 : i32 to index
      %get3A_1374 = arith.constant 32 : index
      %get3A_1375 = tpu.vector_load %arg6[%get3A_1372, %get3A_1373, %get3A_1374] {strides = array<i32>} : memref<8x56x64xf32, #tpu.memory_space<vmem>>, vector<1x1x16xf32>,
      %get3A_1376 = vector.shape_cast %get3A_1375 : vector<1x1x16xf32> to vector<16xf32>
      %add3A_1377 = arith.addf %add3A_1349, %get3A_1376 : vector<16xf32>
      %get3A_1378 = arith.constant 44 : i32
      %get3A_1379 = arith.index_cast %select_n3A_109 : i32 to index
      %get3A_1380 = arith.index_cast %get3A_1378 : i32 to index
      %get3A_1381 = arith.constant 48 : index
      %get3A_1382 = tpu.vector_load %arg6[%get3A_1379, %get3A_1380, %get3A_1381] {strides = array<i32>} : memref<8x56x64xf32, #tpu.memory_space<vmem>>, vector<1x1x16xf32>,
      %get3A_1383 = vector.shape_cast %get3A_1382 : vector<1x1x16xf32> to vector<16xf32>
      %add3A_1384 = arith.addf %add3A_1356, %get3A_1383 : vector<16xf32>
      %get3A_1385 = arith.constant 45 : i32
      %get3A_1386 = arith.index_cast %select_n3A_109 : i32 to index
      %get3A_1387 = arith.index_cast %get3A_1385 : i32 to index
      %get3A_1388 = arith.constant 0 : index
      %get3A_1389 = tpu.vector_load %arg6[%get3A_1386, %get3A_1387, %get3A_1388] {strides = array<i32>} : memref<8x56x64xf32, #tpu.memory_space<vmem>>, vector<1x1x16xf32>,
      %get3A_1390 = vector.shape_cast %get3A_1389 : vector<1x1x16xf32> to vector<16xf32>
      %add3A_1391 = arith.addf %add3A_1363, %get3A_1390 : vector<16xf32>
      %get3A_1392 = arith.constant 45 : i32
      %get3A_1393 = arith.index_cast %select_n3A_109 : i32 to index
      %get3A_1394 = arith.index_cast %get3A_1392 : i32 to index
      %get3A_1395 = arith.constant 16 : index
      %get3A_1396 = tpu.vector_load %arg6[%get3A_1393, %get3A_1394, %get3A_1395] {strides = array<i32>} : memref<8x56x64xf32, #tpu.memory_space<vmem>>, vector<1x1x16xf32>,
      %get3A_1397 = vector.shape_cast %get3A_1396 : vector<1x1x16xf32> to vector<16xf32>
      %add3A_1398 = arith.addf %add3A_1370, %get3A_1397 : vector<16xf32>
      %get3A_1399 = arith.constant 45 : i32
      %get3A_1400 = arith.index_cast %select_n3A_109 : i32 to index
      %get3A_1401 = arith.index_cast %get3A_1399 : i32 to index
      %get3A_1402 = arith.constant 32 : index
      %get3A_1403 = tpu.vector_load %arg6[%get3A_1400, %get3A_1401, %get3A_1402] {strides = array<i32>} : memref<8x56x64xf32, #tpu.memory_space<vmem>>, vector<1x1x16xf32>,
      %get3A_1404 = vector.shape_cast %get3A_1403 : vector<1x1x16xf32> to vector<16xf32>
      %add3A_1405 = arith.addf %add3A_1377, %get3A_1404 : vector<16xf32>
      %get3A_1406 = arith.constant 45 : i32
      %get3A_1407 = arith.index_cast %select_n3A_109 : i32 to index
      %get3A_1408 = arith.index_cast %get3A_1406 : i32 to index
      %get3A_1409 = arith.constant 48 : index
      %get3A_1410 = tpu.vector_load %arg6[%get3A_1407, %get3A_1408, %get3A_1409] {strides = array<i32>} : memref<8x56x64xf32, #tpu.memory_space<vmem>>, vector<1x1x16xf32>,
      %get3A_1411 = vector.shape_cast %get3A_1410 : vector<1x1x16xf32> to vector<16xf32>
      %add3A_1412 = arith.addf %add3A_1384, %get3A_1411 : vector<16xf32>
      %get3A_1413 = arith.constant 46 : i32
      %get3A_1414 = arith.index_cast %select_n3A_109 : i32 to index
      %get3A_1415 = arith.index_cast %get3A_1413 : i32 to index
      %get3A_1416 = arith.constant 0 : index
      %get3A_1417 = tpu.vector_load %arg6[%get3A_1414, %get3A_1415, %get3A_1416] {strides = array<i32>} : memref<8x56x64xf32, #tpu.memory_space<vmem>>, vector<1x1x16xf32>,
      %get3A_1418 = vector.shape_cast %get3A_1417 : vector<1x1x16xf32> to vector<16xf32>
      %add3A_1419 = arith.addf %add3A_1391, %get3A_1418 : vector<16xf32>
      %get3A_1420 = arith.constant 46 : i32
      %get3A_1421 = arith.index_cast %select_n3A_109 : i32 to index
      %get3A_1422 = arith.index_cast %get3A_1420 : i32 to index
      %get3A_1423 = arith.constant 16 : index
      %get3A_1424 = tpu.vector_load %arg6[%get3A_1421, %get3A_1422, %get3A_1423] {strides = array<i32>} : memref<8x56x64xf32, #tpu.memory_space<vmem>>, vector<1x1x16xf32>,
      %get3A_1425 = vector.shape_cast %get3A_1424 : vector<1x1x16xf32> to vector<16xf32>
      %add3A_1426 = arith.addf %add3A_1398, %get3A_1425 : vector<16xf32>
      %get3A_1427 = arith.constant 46 : i32
      %get3A_1428 = arith.index_cast %select_n3A_109 : i32 to index
      %get3A_1429 = arith.index_cast %get3A_1427 : i32 to index
      %get3A_1430 = arith.constant 32 : index
      %get3A_1431 = tpu.vector_load %arg6[%get3A_1428, %get3A_1429, %get3A_1430] {strides = array<i32>} : memref<8x56x64xf32, #tpu.memory_space<vmem>>, vector<1x1x16xf32>,
      %get3A_1432 = vector.shape_cast %get3A_1431 : vector<1x1x16xf32> to vector<16xf32>
      %add3A_1433 = arith.addf %add3A_1405, %get3A_1432 : vector<16xf32>
      %get3A_1434 = arith.constant 46 : i32
      %get3A_1435 = arith.index_cast %select_n3A_109 : i32 to index
      %get3A_1436 = arith.index_cast %get3A_1434 : i32 to index
      %get3A_1437 = arith.constant 48 : index
      %get3A_1438 = tpu.vector_load %arg6[%get3A_1435, %get3A_1436, %get3A_1437] {strides = array<i32>} : memref<8x56x64xf32, #tpu.memory_space<vmem>>, vector<1x1x16xf32>,
      %get3A_1439 = vector.shape_cast %get3A_1438 : vector<1x1x16xf32> to vector<16xf32>
      %add3A_1440 = arith.addf %add3A_1412, %get3A_1439 : vector<16xf32>
      %get3A_1441 = arith.constant 47 : i32
      %get3A_1442 = arith.index_cast %select_n3A_109 : i32 to index
      %get3A_1443 = arith.index_cast %get3A_1441 : i32 to index
      %get3A_1444 = arith.constant 0 : index
      %get3A_1445 = tpu.vector_load %arg6[%get3A_1442, %get3A_1443, %get3A_1444] {strides = array<i32>} : memref<8x56x64xf32, #tpu.memory_space<vmem>>, vector<1x1x16xf32>,
      %get3A_1446 = vector.shape_cast %get3A_1445 : vector<1x1x16xf32> to vector<16xf32>
      %add3A_1447 = arith.addf %add3A_1419, %get3A_1446 : vector<16xf32>
      %get3A_1448 = arith.constant 47 : i32
      %get3A_1449 = arith.index_cast %select_n3A_109 : i32 to index
      %get3A_1450 = arith.index_cast %get3A_1448 : i32 to index
      %get3A_1451 = arith.constant 16 : index
      %get3A_1452 = tpu.vector_load %arg6[%get3A_1449, %get3A_1450, %get3A_1451] {strides = array<i32>} : memref<8x56x64xf32, #tpu.memory_space<vmem>>, vector<1x1x16xf32>,
      %get3A_1453 = vector.shape_cast %get3A_1452 : vector<1x1x16xf32> to vector<16xf32>
      %add3A_1454 = arith.addf %add3A_1426, %get3A_1453 : vector<16xf32>
      %get3A_1455 = arith.constant 47 : i32
      %get3A_1456 = arith.index_cast %select_n3A_109 : i32 to index
      %get3A_1457 = arith.index_cast %get3A_1455 : i32 to index
      %get3A_1458 = arith.constant 32 : index
      %get3A_1459 = tpu.vector_load %arg6[%get3A_1456, %get3A_1457, %get3A_1458] {strides = array<i32>} : memref<8x56x64xf32, #tpu.memory_space<vmem>>, vector<1x1x16xf32>,
      %get3A_1460 = vector.shape_cast %get3A_1459 : vector<1x1x16xf32> to vector<16xf32>
      %add3A_1461 = arith.addf %add3A_1433, %get3A_1460 : vector<16xf32>
      %get3A_1462 = arith.constant 47 : i32
      %get3A_1463 = arith.index_cast %select_n3A_109 : i32 to index
      %get3A_1464 = arith.index_cast %get3A_1462 : i32 to index
      %get3A_1465 = arith.constant 48 : index
      %get3A_1466 = tpu.vector_load %arg6[%get3A_1463, %get3A_1464, %get3A_1465] {strides = array<i32>} : memref<8x56x64xf32, #tpu.memory_space<vmem>>, vector<1x1x16xf32>,
      %get3A_1467 = vector.shape_cast %get3A_1466 : vector<1x1x16xf32> to vector<16xf32>
      %add3A_1468 = arith.addf %add3A_1440, %get3A_1467 : vector<16xf32>
      %get3A_1469 = arith.constant 48 : i32
      %get3A_1470 = arith.index_cast %select_n3A_109 : i32 to index
      %get3A_1471 = arith.index_cast %get3A_1469 : i32 to index
      %get3A_1472 = arith.constant 0 : index
      %get3A_1473 = tpu.vector_load %arg6[%get3A_1470, %get3A_1471, %get3A_1472] {strides = array<i32>} : memref<8x56x64xf32, #tpu.memory_space<vmem>>, vector<1x1x16xf32>,
      %get3A_1474 = vector.shape_cast %get3A_1473 : vector<1x1x16xf32> to vector<16xf32>
      %add3A_1475 = arith.addf %add3A_1447, %get3A_1474 : vector<16xf32>
      %get3A_1476 = arith.constant 48 : i32
      %get3A_1477 = arith.index_cast %select_n3A_109 : i32 to index
      %get3A_1478 = arith.index_cast %get3A_1476 : i32 to index
      %get3A_1479 = arith.constant 16 : index
      %get3A_1480 = tpu.vector_load %arg6[%get3A_1477, %get3A_1478, %get3A_1479] {strides = array<i32>} : memref<8x56x64xf32, #tpu.memory_space<vmem>>, vector<1x1x16xf32>,
      %get3A_1481 = vector.shape_cast %get3A_1480 : vector<1x1x16xf32> to vector<16xf32>
      %add3A_1482 = arith.addf %add3A_1454, %get3A_1481 : vector<16xf32>
      %get3A_1483 = arith.constant 48 : i32
      %get3A_1484 = arith.index_cast %select_n3A_109 : i32 to index
      %get3A_1485 = arith.index_cast %get3A_1483 : i32 to index
      %get3A_1486 = arith.constant 32 : index
      %get3A_1487 = tpu.vector_load %arg6[%get3A_1484, %get3A_1485, %get3A_1486] {strides = array<i32>} : memref<8x56x64xf32, #tpu.memory_space<vmem>>, vector<1x1x16xf32>,
      %get3A_1488 = vector.shape_cast %get3A_1487 : vector<1x1x16xf32> to vector<16xf32>
      %add3A_1489 = arith.addf %add3A_1461, %get3A_1488 : vector<16xf32>
      %get3A_1490 = arith.constant 48 : i32
      %get3A_1491 = arith.index_cast %select_n3A_109 : i32 to index
      %get3A_1492 = arith.index_cast %get3A_1490 : i32 to index
      %get3A_1493 = arith.constant 48 : index
      %get3A_1494 = tpu.vector_load %arg6[%get3A_1491, %get3A_1492, %get3A_1493] {strides = array<i32>} : memref<8x56x64xf32, #tpu.memory_space<vmem>>, vector<1x1x16xf32>,
      %get3A_1495 = vector.shape_cast %get3A_1494 : vector<1x1x16xf32> to vector<16xf32>
      %add3A_1496 = arith.addf %add3A_1468, %get3A_1495 : vector<16xf32>
      %get3A_1497 = arith.constant 49 : i32
      %get3A_1498 = arith.index_cast %select_n3A_109 : i32 to index
      %get3A_1499 = arith.index_cast %get3A_1497 : i32 to index
      %get3A_1500 = arith.constant 0 : index
      %get3A_1501 = tpu.vector_load %arg6[%get3A_1498, %get3A_1499, %get3A_1500] {strides = array<i32>} : memref<8x56x64xf32, #tpu.memory_space<vmem>>, vector<1x1x16xf32>,
      %get3A_1502 = vector.shape_cast %get3A_1501 : vector<1x1x16xf32> to vector<16xf32>
      %add3A_1503 = arith.addf %add3A_1475, %get3A_1502 : vector<16xf32>
      %get3A_1504 = arith.constant 49 : i32
      %get3A_1505 = arith.index_cast %select_n3A_109 : i32 to index
      %get3A_1506 = arith.index_cast %get3A_1504 : i32 to index
      %get3A_1507 = arith.constant 16 : index
      %get3A_1508 = tpu.vector_load %arg6[%get3A_1505, %get3A_1506, %get3A_1507] {strides = array<i32>} : memref<8x56x64xf32, #tpu.memory_space<vmem>>, vector<1x1x16xf32>,
      %get3A_1509 = vector.shape_cast %get3A_1508 : vector<1x1x16xf32> to vector<16xf32>
      %add3A_1510 = arith.addf %add3A_1482, %get3A_1509 : vector<16xf32>
      %get3A_1511 = arith.constant 49 : i32
      %get3A_1512 = arith.index_cast %select_n3A_109 : i32 to index
      %get3A_1513 = arith.index_cast %get3A_1511 : i32 to index
      %get3A_1514 = arith.constant 32 : index
      %get3A_1515 = tpu.vector_load %arg6[%get3A_1512, %get3A_1513, %get3A_1514] {strides = array<i32>} : memref<8x56x64xf32, #tpu.memory_space<vmem>>, vector<1x1x16xf32>,
      %get3A_1516 = vector.shape_cast %get3A_1515 : vector<1x1x16xf32> to vector<16xf32>
      %add3A_1517 = arith.addf %add3A_1489, %get3A_1516 : vector<16xf32>
      %get3A_1518 = arith.constant 49 : i32
      %get3A_1519 = arith.index_cast %select_n3A_109 : i32 to index
      %get3A_1520 = arith.index_cast %get3A_1518 : i32 to index
      %get3A_1521 = arith.constant 48 : index
      %get3A_1522 = tpu.vector_load %arg6[%get3A_1519, %get3A_1520, %get3A_1521] {strides = array<i32>} : memref<8x56x64xf32, #tpu.memory_space<vmem>>, vector<1x1x16xf32>,
      %get3A_1523 = vector.shape_cast %get3A_1522 : vector<1x1x16xf32> to vector<16xf32>
      %add3A_1524 = arith.addf %add3A_1496, %get3A_1523 : vector<16xf32>
      %swap3A = arith.index_cast %add3A_94 : i32 to index
      %swap3A_1525 = arith.constant 0 : index
      %swap3A_1526 = tpu.vector_load %arg7[%swap3A, %swap3A_1525] {strides = array<i32>} : memref<128x64xf32, #tpu.memory_space<vmem>>, vector<1x16xf32>,
      %swap3A_1527 = vector.shape_cast %swap3A_1526 : vector<1x16xf32> to vector<16xf32>
      %swap3A_1528 = vector.shape_cast %add3A_1503 : vector<16xf32> to vector<1x16xf32>
      tpu.vector_store %arg7[%swap3A, %swap3A_1525], %swap3A_1528 {strides = array<i32>} : memref<128x64xf32, #tpu.memory_space<vmem>>, vector<1x16xf32>,
      %swap3A_1529 = arith.index_cast %add3A_94 : i32 to index
      %swap3A_1530 = arith.constant 16 : index
      %swap3A_1531 = tpu.vector_load %arg7[%swap3A_1529, %swap3A_1530] {strides = array<i32>} : memref<128x64xf32, #tpu.memory_space<vmem>>, vector<1x16xf32>,
      %swap3A_1532 = vector.shape_cast %swap3A_1531 : vector<1x16xf32> to vector<16xf32>
      %swap3A_1533 = vector.shape_cast %add3A_1510 : vector<16xf32> to vector<1x16xf32>
      tpu.vector_store %arg7[%swap3A_1529, %swap3A_1530], %swap3A_1533 {strides = array<i32>} : memref<128x64xf32, #tpu.memory_space<vmem>>, vector<1x16xf32>,
      %swap3A_1534 = arith.index_cast %add3A_94 : i32 to index
      %swap3A_1535 = arith.constant 32 : index
      %swap3A_1536 = tpu.vector_load %arg7[%swap3A_1534, %swap3A_1535] {strides = array<i32>} : memref<128x64xf32, #tpu.memory_space<vmem>>, vector<1x16xf32>,
      %swap3A_1537 = vector.shape_cast %swap3A_1536 : vector<1x16xf32> to vector<16xf32>
      %swap3A_1538 = vector.shape_cast %add3A_1517 : vector<16xf32> to vector<1x16xf32>
      tpu.vector_store %arg7[%swap3A_1534, %swap3A_1535], %swap3A_1538 {strides = array<i32>} : memref<128x64xf32, #tpu.memory_space<vmem>>, vector<1x16xf32>,
      %swap3A_1539 = arith.index_cast %add3A_94 : i32 to index
      %swap3A_1540 = arith.constant 48 : index
      %swap3A_1541 = tpu.vector_load %arg7[%swap3A_1539, %swap3A_1540] {strides = array<i32>} : memref<128x64xf32, #tpu.memory_space<vmem>>, vector<1x16xf32>,
      %swap3A_1542 = vector.shape_cast %swap3A_1541 : vector<1x16xf32> to vector<16xf32>
      %swap3A_1543 = vector.shape_cast %add3A_1524 : vector<16xf32> to vector<1x16xf32>
      tpu.vector_store %arg7[%swap3A_1539, %swap3A_1540], %swap3A_1543 {strides = array<i32>} : memref<128x64xf32, #tpu.memory_space<vmem>>, vector<1x16xf32>,
    }
    %scan3A_89 = arith.constant 128 : i32
    "tpu.region"() ({
      %run_scoped3A = tpu.sem_alloc : memref<!tpu.dma_semaphore, #tpu.memory_space<semaphore_mem>>
      %dma_start3A_90 = arith.constant 0 : i32
      %dma_start3A_91 = tpu.memref_slice %arg4[%mul3A_2, %dma_start3A_90] : memref<4096x64xf32, #tpu.memory_space<hbm>> -> memref<128x64xf32, #tpu.memory_space<hbm>>
      %dma_start3A_92 = arith.constant 0 : i32
      %dma_start3A_93 = tpu.memref_slice %arg4[%mul3A_2, %dma_start3A_92] : memref<4096x64xf32, #tpu.memory_space<hbm>> -> memref<128x64xf32, #tpu.memory_space<hbm>>
      tpu.enqueue_dma source(%arg7 : memref<128x64xf32, #tpu.memory_space<vmem>>) target(%dma_start3A_93 : memref<128x64xf32, #tpu.memory_space<hbm>>) target_semaphore(%run_scoped3A : memref<!tpu.dma_semaphore, #tpu.memory_space<semaphore_mem>>)
      %dma_wait3A = arith.constant 0 : i32
      %dma_wait3A_94 = tpu.memref_slice %arg4[%mul3A_2, %dma_wait3A] : memref<4096x64xf32, #tpu.memory_space<hbm>> -> memref<128x64xf32, #tpu.memory_space<hbm>>
      %dma_wait3A_95 = arith.constant 0 : i32
      %dma_wait3A_96 = tpu.memref_slice %arg4[%mul3A_2, %dma_wait3A_95] : memref<4096x64xf32, #tpu.memory_space<hbm>> -> memref<128x64xf32, #tpu.memory_space<hbm>>
      tpu.wait_dma2 semaphore(%run_scoped3A : memref<!tpu.dma_semaphore, #tpu.memory_space<semaphore_mem>>) src(%arg7 : memref<128x64xf32, #tpu.memory_space<vmem>>) dst(%dma_wait3A_96 : memref<128x64xf32, #tpu.memory_space<hbm>>)
      tpu.yield
    }) : () -> ()
    return
  }
}

module attributes {stable_mosaic.version = 14 : i64} {
  func.func @_g_body(%arg0: i32, %arg1: memref<64x4096xf32, #tpu.memory_space<vmem>>, %arg2: memref<2048x128xf32, #tpu.memory_space<vmem>>) attributes {dimension_semantics = [#tpu.dimension_semantics<arbitrary>], iteration_bounds = array<i64: 25>, scalar_prefetch = 0 : i64, scratch_operands = 0 : i64, tpu.core_type = #tpu.core_type<tc>, window_params = [{transform_indices = @transform_0, window_bounds = array<i64: 64, 4096>}, {transform_indices = @transform_1, window_bounds = array<i64: 2048, 128>}]} {
    %get3A = arith.constant 0 : index
    %get3A_0 = arith.constant 0 : index
    %get3A_1 = vector.load %arg1[%get3A, %get3A_0] : memref<64x4096xf32, #tpu.memory_space<vmem>>, vector<64x4096xf32>
    %mul3A = arith.mulf %get3A_1, %get3A_1 : vector<64x4096xf32>
    %reduce_sum3A = arith.constant dense<0.000000e+00> : vector<4096xf32>
    %reduce_sum3A_2 = vector.multi_reduction <add>, %mul3A, %reduce_sum3A [0] : vector<64x4096xf32> to vector<4096xf32>
    %broadcast_in_dim3A = vector.shape_cast %reduce_sum3A_2 : vector<4096xf32> to vector<1x4096xf32>
    %sqrt3A = math.sqrt %broadcast_in_dim3A : vector<1x4096xf32>
    %gt3A = arith.constant 1.000000e+00 : f32
    %gt3A_3 = vector.broadcast %gt3A : f32 to vector<1x4096xf32>
    %gt3A_4 = arith.cmpf ogt, %sqrt3A, %gt3A_3 : vector<1x4096xf32>
    %add3A = arith.constant 1.000000e-07 : f32
    %add3A_5 = vector.broadcast %add3A : f32 to vector<1x4096xf32>
    %add3A_6 = arith.addf %sqrt3A, %add3A_5 : vector<1x4096xf32>
    %div3A = arith.constant 1.000000e+00 : f32
    %div3A_7 = vector.broadcast %div3A : f32 to vector<1x4096xf32>
    %div3A_8 = arith.divf %div3A_7, %add3A_6 : vector<1x4096xf32>
    %jit3A = arith.constant 1.000000e+00 : f32
    %broadcast_in_dim3A_9 = vector.broadcast %jit3A : f32 to vector<1x4096xf32>
    %select_n3A = arith.select %gt3A_4, %div3A_8, %broadcast_in_dim3A_9 : vector<1x4096xi1>, vector<1x4096xf32>
    %max3A = arith.constant 0.000000e+00 : f32
    %max3A_10 = vector.broadcast %max3A : f32 to vector<64x4096xf32>
    %max3A_11 = arith.maximumf %get3A_1, %max3A_10 : vector<64x4096xf32>
    %mul3A_12 = vector.broadcast %select_n3A : vector<1x4096xf32> to vector<64x4096xf32>
    %mul3A_13 = arith.mulf %max3A_11, %mul3A_12 : vector<64x4096xf32>
    %mul3A_14 = arith.mulf %mul3A_13, %mul3A_13 : vector<64x4096xf32>
    %slice3A = vector.extract_strided_slice %mul3A_14 {offsets = [0, 0], sizes = [64, 2048], strides = [1, 1]} : vector<64x4096xf32> to vector<64x2048xf32>
    %slice3A_15 = vector.extract_strided_slice %mul3A_14 {offsets = [0, 2048], sizes = [64, 2048], strides = [1, 1]} : vector<64x4096xf32> to vector<64x2048xf32>
    %transpose3A = tpu.transpose %slice3A, [1, 0] : vector<64x2048xf32> -> vector<2048x64xf32>
    %transpose3A_16 = tpu.transpose %slice3A_15, [1, 0] : vector<64x2048xf32> -> vector<2048x64xf32>
    %concatenate3A = tpu.concatenate %transpose3A, %transpose3A_16 in 1 : vector<2048x64xf32>, vector<2048x64xf32> -> vector<2048x128xf32>
    %swap3A = arith.constant 0 : index
    %swap3A_17 = arith.constant 0 : index
    %swap3A_18 = vector.load %arg2[%swap3A, %swap3A_17] : memref<2048x128xf32, #tpu.memory_space<vmem>>, vector<2048x128xf32>
    tpu.vector_store %arg2[%swap3A, %swap3A_17], %concatenate3A {strides = array<i32>} : memref<2048x128xf32, #tpu.memory_space<vmem>>, vector<2048x128xf32>,
    return
  }
  func.func @transform_0(%arg0: i32) -> (i32, i32) {
    %c0_i32 = arith.constant 0 : i32
    %c0_i32_0 = arith.constant 0 : i32
    return %c0_i32, %arg0 : i32, i32
  }
  func.func @transform_1(%arg0: i32) -> (i32, i32) {
    %c0_i32 = arith.constant 0 : i32
    %c0_i32_0 = arith.constant 0 : i32
    return %arg0, %c0_i32 : i32, i32
  }
}

module attributes {stable_mosaic.version = 14 : i64} {
  func.func @_fin_body(%arg0: memref<4096x64xf32, #tpu.memory_space<vmem>>, %arg1: memref<4096x26xf32, #tpu.memory_space<vmem>>, %arg2: memref<1x90xf32, #tpu.memory_space<vmem>>, %arg3: memref<1x1xf32, #tpu.memory_space<vmem>>, %arg4: memref<4096x1xf32, #tpu.memory_space<vmem>>) attributes {dimension_semantics = [], scalar_prefetch = 0 : i64, scratch_operands = 0 : i64, tpu.core_type = #tpu.core_type<tc>} {
    %get3A = arith.constant 0 : index
    %get3A_0 = arith.constant 0 : index
    %get3A_1 = vector.load %arg0[%get3A, %get3A_0] : memref<4096x64xf32, #tpu.memory_space<vmem>>, vector<4096x64xf32>
    %sqrt3A = math.sqrt %get3A_1 : vector<4096x64xf32>
    %get3A_2 = arith.constant 0 : index
    %get3A_3 = arith.constant 0 : index
    %get3A_4 = vector.load %arg2[%get3A_2, %get3A_3] : memref<1x90xf32, #tpu.memory_space<vmem>>, vector<1x90xf32>
    %slice3A = vector.extract_strided_slice %get3A_4 {offsets = [0, 0], sizes = [1, 26], strides = [1, 1]} : vector<1x90xf32> to vector<1x26xf32>
    %slice3A_5 = vector.extract_strided_slice %get3A_4 {offsets = [0, 26], sizes = [1, 64], strides = [1, 1]} : vector<1x90xf32> to vector<1x64xf32>
    %get3A_6 = arith.constant 0 : index
    %get3A_7 = arith.constant 0 : index
    %get3A_8 = vector.load %arg1[%get3A_6, %get3A_7] : memref<4096x26xf32, #tpu.memory_space<vmem>>, vector<4096x26xf32>
    %mul3A = vector.broadcast %slice3A : vector<1x26xf32> to vector<4096x26xf32>
    %mul3A_9 = arith.mulf %get3A_8, %mul3A : vector<4096x26xf32>
    %reduce_sum3A = arith.constant dense<0.000000e+00> : vector<4096xf32>
    %reduce_sum3A_10 = vector.multi_reduction <add>, %mul3A_9, %reduce_sum3A [1] : vector<4096x26xf32> to vector<4096xf32>
    %broadcast_in_dim3A = vector.shape_cast %reduce_sum3A_10 : vector<4096xf32> to vector<4096x1xf32>
    %mul3A_11 = vector.broadcast %slice3A_5 : vector<1x64xf32> to vector<4096x64xf32>
    %mul3A_12 = arith.mulf %sqrt3A, %mul3A_11 : vector<4096x64xf32>
    %reduce_sum3A_13 = arith.constant dense<0.000000e+00> : vector<4096xf32>
    %reduce_sum3A_14 = vector.multi_reduction <add>, %mul3A_12, %reduce_sum3A_13 [1] : vector<4096x64xf32> to vector<4096xf32>
    %broadcast_in_dim3A_15 = vector.shape_cast %reduce_sum3A_14 : vector<4096xf32> to vector<4096x1xf32>
    %add3A = arith.addf %broadcast_in_dim3A, %broadcast_in_dim3A_15 : vector<4096x1xf32>
    %get3A_16 = arith.constant 0 : index
    %get3A_17 = arith.constant 0 : index
    %get3A_18 = vector.load %arg3[%get3A_16, %get3A_17] : memref<1x1xf32, #tpu.memory_space<vmem>>, vector<1x1xf32>
    %get3A_19 = vector.extract %get3A_18[0, 0] : f32 from vector<1x1xf32>
    %add3A_20 = vector.broadcast %get3A_19 : f32 to vector<4096x1xf32>
    %add3A_21 = arith.addf %add3A, %add3A_20 : vector<4096x1xf32>
    %logistic3A = arith.negf %add3A_21 : vector<4096x1xf32>
    %logistic3A_22 = math.exp %logistic3A : vector<4096x1xf32>
    %logistic3A_23 = arith.constant 1.000000e+00 : f32
    %logistic3A_24 = vector.broadcast %logistic3A_23 : f32 to vector<4096x1xf32>
    %logistic3A_25 = arith.addf %logistic3A_24, %logistic3A_22 : vector<4096x1xf32>
    %logistic3A_26 = arith.divf %logistic3A_24, %logistic3A_25 : vector<4096x1xf32>
    %swap3A = arith.constant 0 : index
    %swap3A_27 = arith.constant 0 : index
    %swap3A_28 = vector.load %arg4[%swap3A, %swap3A_27] : memref<4096x1xf32, #tpu.memory_space<vmem>>, vector<4096x1xf32>
    tpu.vector_store %arg4[%swap3A, %swap3A_27], %logistic3A_26 {strides = array<i32>} : memref<4096x1xf32, #tpu.memory_space<vmem>>, vector<4096x1xf32>,
    return
  }
}

</mosaic_0001>

<sc_bundles>
// kernel: _impl.5.cloned.1.call-start
scs
__scs_entry_jumppad:
0x0: {  	(pc) =	sbr.rel $0x88, $3  }
0x1: {  	(tag) =	ssettag $0x0;
	lr =	simm.s32 $0x1  }
0x2: {  	[smem:$0x3F9C] =	sst lr;
	_ =	strace $0xD0000000  }
0x3: {  	_ = 	snop  }
0x4: {  	_ = 	snop  }
0x5: {  	_ = 	snop  }
0x6: {  	_ = 	snop  }
0x7: {  	_ = 	snop  }
__scs_overlays_trampoline_lowered:
0x8: {  	[smem:$0x3FAB] =	sst s0  }
0x9: {  	[smem:$0x3FAC] =	sst s1  }
0xa: {  	[smem:$0x3FAD] =	sst s2  }
0xb: {  	[smem:$0x3FAE] =	sst s3  }
0xc: {  	[smem:$0x3FAF] =	sst s4  }
0xd: {  	[smem:$0x3FB0] =	sst s5  }
0xe: {  	[smem:$0x3FB1] =	sst s6  }
0xf: {  	[smem:$0x3FB2] =	sst s7  }
0x10: {  	[smem:$0x3FB3] =	sst s8  }
0x11: {  	[smem:$0x3FB4] =	sst s9;
	s0 =	simm.s32 @!p0 $0x0  }
0x12: {  	s1 =	sld [smem:$0x3F9A];
	s0 =	simm.s32 @p0 $0x1  }
0x13: {  	[smem:$0x3FB5] =	sst s0;
	s0 =	simm.s32 @!p1 $0x0  }
0x14: {  	s2 =	sld [smem:$0x3F99];
	s0 =	simm.s32 @p1 $0x1  }
0x15: {  	[smem:$0x3FB6] =	sst s0;
	s0 =	simm.s32 @!p2 $0x0  }
0x16: {  	s3 =	sld [smem:$0x3FDB];
	s0 =	simm.s32 @p2 $0x1  }
0x17: {  	s4 =	simm.s32 $0x1BF5;
	[smem:$0x3FB8] =	sst s0  }
0x18: {  	s0 =	sld [smem:$0x3F9B];
	_ =	swait.ge [sflag:s4], $0x0  }
0x19: {  	s7 =	sld [smem:$0x3F9C]  }
0x1a: {  	s8 =	sadd.s32 $0xFFFFE003, lr  }
0x1b: {  	s9 =	sadd.s32 $0xFFFFFEF7, lr;
	s5 =	simm.s32 $0xFFFFFFFF;
	p2 =	slt.u32 s8, $0xFFFFF086  }
0x1c: {  	p1 =	slt.u32 s9, $0xF7A;
	s5 =	simm.s32 @!p2 $0x0  }
0x1d: {  	s5 =	simm.s32 @p1 $0x1;
	p0 =	seq.s32 s7, s2  }
0x1e: {  	s7 =	smul.u32 @!p0 $0xF7A, s2;
	p2 =	seq.s32 @!p0 s5, $0x0  }
0x1f: {  	s9 =	smul.u32 $0xF7A, s1;
	s8 =	simm.s32 @!p0 $0x1BF5;
	p2 =	por !p2, p0  }
0x20: {  	[sflag:s8] =	ssyncset.s32 @!p0 $0xFFFFF086;
	s6 =	sadd.s32 @!p0 s3, s7;
	s7 =	simm.s32 @!p0 $0x108  }
0x21: {  	s3 =	sadd.s32 s3, s9;
	s6 =	sadd.s32 @!p0 $0x88, s6;
	s7 =	simm.s32 @p2 $0x1082  }
0x22: {  	[simem:s7], [sflag:s8] =	dma.local @!p0 [hbm:s6], $0xF7A  }
0x23: {  	s9 =	sor.u32 $0xD0000000, s2;
	s6 =	simm.s32 $0x108;
	_ =	swait.ge @!p0 [sflag:s8], $0x0  }
0x24: {  	s3 =	sadd.s32 $0x88, s3;
	s6 =	simm.s32 @!p1 $0x1082;
	[sflag:s4] =	ssyncset.s32 $0xFFFFF086  }
0x25: {  	[simem:s6], [sflag:s4] =	dma.local [hbm:s3], $0xF7A  }
0x26: {  	[smem:$0x3F9C] =	sst s1;
	(tag) =	ssettag s2;
	_ =	strace s9  }
0x27: {  	s1 =	sld [smem:$0x3FAC]  }
0x28: {  	s2 =	sld [smem:$0x3FAD]  }
0x29: {  	s4 =	sld [smem:$0x3FAF]  }
0x2a: {  	p0 =	seq.s32 s5, $0x0;
	s5 =	sld [smem:$0x3FB0]  }
0x2b: {  	s6 =	sld [smem:$0x3FB1]  }
0x2c: {  	s7 =	sld [smem:$0x3FB2]  }
0x2d: {  	s3 =	simm.s32 $0x108;
	s8 =	sld [smem:$0x3FB3]  }
0x2e: {  	s3 =	simm.s32 @!p0 $0x1082;
	s9 =	sld [smem:$0x3FB4]  }
0x2f: {  	lr =	sadd.s32 s0, s3;
	s0 =	sld [smem:$0x3FAB]  }
0x30: {  	s3 =	sld [smem:$0x3FAE]  }
0x31: {  	[smem:$0x3FB7] =	sst s10  }
0x32: {  	s10 =	sld [smem:$0x3FB5];
	_ =	sdelay $0x3  }
0x33: {  	p0 =	seq.s32 s10, $0x1;
	s10 =	sld [smem:$0x3FB7];
	_ =	sdelay $0x3  }
0x34: {  	[smem:$0x3FB7] =	sst s10  }
0x35: {  	s10 =	sld [smem:$0x3FB6];
	_ =	sdelay $0x3  }
0x36: {  	p1 =	seq.s32 s10, $0x1;
	s10 =	sld [smem:$0x3FB7];
	_ =	sdelay $0x3  }
0x37: {  	[smem:$0x3FB7] =	sst s10  }
0x38: {  	s10 =	sld [smem:$0x3FB8]  }
0x39: {  	_ = 	snop;
	(pc) =	sbr.ind lr, $3  }
0x3a: {  	_ = 	snop  }
0x3b: {  	_ = 	snop  }
0x3c: {  	p2 =	seq.s32 s10, $0x1;
	s10 =	sld [smem:$0x3FB7]  }
0x3d: {  	_ =	shalt  }
0x3e: {  	_ =	shalt  }
0x3f: {  	_ =	shalt  }
0x40: {  	_ =	shalt  }
0x41: {  	_ =	shalt  }
0x42: {  	_ =	shalt  }
0x43: {  	_ =	shalt  }
0x44: {  	_ =	shalt  }
0x45: {  	_ =	shalt  }
0x46: {  	_ =	shalt  }
0x47: {  	_ =	shalt  }
0x48: {  	_ =	shalt  }
0x49: {  	_ =	shalt  }
0x4a: {  	_ =	shalt  }
0x4b: {  	_ =	shalt  }
0x4c: {  	_ =	shalt  }
0x4d: {  	_ =	shalt  }
0x4e: {  	_ =	shalt  }
0x4f: {  	_ =	shalt  }
0x50: {  	_ =	shalt  }
0x51: {  	_ =	shalt  }
0x52: {  	_ =	shalt  }
0x53: {  	_ =	shalt  }
0x54: {  	_ =	shalt  }
0x55: {  	_ =	shalt  }
0x56: {  	_ =	shalt  }
0x57: {  	_ =	shalt  }
0x58: {  	_ =	shalt  }
0x59: {  	_ =	shalt  }
0x5a: {  	_ =	shalt  }
0x5b: {  	_ =	shalt  }
0x5c: {  	_ =	shalt  }
0x5d: {  	_ =	shalt  }
0x5e: {  	_ =	shalt  }
0x5f: {  	_ =	shalt  }
0x60: {  	_ =	shalt  }
0x61: {  	_ =	shalt  }
0x62: {  	_ =	shalt  }
0x63: {  	_ =	shalt  }
0x64: {  	_ =	shalt  }
0x65: {  	_ =	shalt  }
0x66: {  	_ =	shalt  }
0x67: {  	_ =	shalt  }
0x68: {  	_ =	shalt  }
0x69: {  	_ =	shalt  }
0x6a: {  	_ =	shalt  }
0x6b: {  	_ =	shalt  }
0x6c: {  	_ =	shalt  }
0x6d: {  	_ =	shalt  }
0x6e: {  	_ =	shalt  }
0x6f: {  	_ =	shalt  }
0x70: {  	_ =	shalt  }
0x71: {  	_ =	shalt  }
0x72: {  	_ =	shalt  }
0x73: {  	_ =	shalt  }
0x74: {  	_ =	shalt  }
0x75: {  	_ =	shalt  }
0x76: {  	_ =	shalt  }
0x77: {  	_ =	shalt  }
0x78: {  	_ =	shalt  }
0x79: {  	_ =	shalt  }
0x7a: {  	_ =	shalt  }
0x7b: {  	_ =	shalt  }
0x7c: {  	_ =	shalt  }
0x7d: {  	_ =	shalt  }
0x7e: {  	_ =	shalt  }
0x7f: {  	_ =	shalt  }
0x80: {  	_ =	shalt  }
0x81: {  	_ =	shalt  }
0x82: {  	_ =	shalt  }
0x83: {  	_ =	shalt  }
0x84: {  	_ =	shalt  }
0x85: {  	_ =	shalt  }
0x86: {  	_ =	shalt  }
0x87: {  	_ =	shalt  }
.Lfunc_end0:
.L_simem_size_0:
called_computation_lowered:
.L_overlay_start_0:
0x88: {  	s2 =	sld [smem:$0x3FD9]  }
0x89: {  	s3 =	sld [smem:$0x3FFE];
	_ =	sdelay $0x1  }
0x8a: {  	s1 =	srdreg.scid  }
0x8b: {  	s0 =	sand.u32 $0x1, s1  }
0x8c: {  	s16 =	sshll.u32 s0, $0xA;
	s2 =	sadd.s32 s3, s2  }
0x8d: {  	s2 =	sadd.s32 s2, s16  }
0x8e: {  	[smem:$0x3FC3] =	sst s2  }
0x8f: {  	_ = 	snop  }
0x90: {  	(tm) =	ssettm $0x1  }
0x91: {  	s17 =	sld [smem:$0x3FFB];
	_ =	sdelay $0x3  }
0x92: {  	_ =	strace s17  }
0x93: {  	s2 =	sld [smem:$0x3FFC];
	_ =	sdelay $0x3  }
0x94: {  	_ =	strace s2  }
0x95: {  	s2 =	sld [smem:$0x3FFD];
	_ =	sdelay $0x3  }
0x96: {  	_ =	strace s2  }
0x97: {  	_ =	strace $0x8FFFFFFF  }
0x98: {  	s18 =	sld [smem:$0x3FDB];
	_ =	sdelay $0x1  }
0x99: {  	s19 =	simm.s32 $_scs_section_size  }
0x9a: {  	s4 =	simm.s32 $_size__tile_overlayer_lowered;
	s5 =	simm.s32 $_tile_overlayer_lowered  }
0x9b: {  	s22 =	simm.s32 $0x1BFF;
	s21 =	sshll.u32 s5, $0x1;
	s2 =	sadd.s32 s19, s18  }
0x9c: {  	s6 =	simm.s32 $0x0;
	s20 =	sshll.u32 s4, $0x1;
	s4 =	sadd.s32 s21, s2  }
0x9d: {  	[timem:s6], [sflag:s22] =	dma.local [hbm:s4], s20  }
0x9e: {  	_ =	swait.ge [sflag:s22], s20  }
0x9f: {  	s3 =	ssub.s32 $0x0, s20;
	[sflag:s22] =	ssyncset.done $0x0  }
0xa0: {  	[sflag:s22] =	ssyncadd.s32 s3;
	_ =	sdelay $0x1  }
0xa1: {  	s23 =	simm.s32 $0x1B8B  }
0xa2: {  	_ =	swait.ge [sflag:s23], $0x1  }
0xa3: {  	[sflag:s23] =	ssyncset.done $0x0  }
0xa4: {  	s25 =	simm.s32 $0x1B8E;
	s24 =	sld [smem:$0x3FFE];
	[sflag:s23] =	ssyncadd.s32 $0xFFFFFFFF  }
0xa5: {  	s26 =	simm.s32 $execute0_lowered;
	[smem:$0x3FD2] =	sst s25  }
0xa6: {  	s4 =	sshll.u32 s26, $0x1;
	_ =	strace $0x80000046;
	[dreg:$0x1] =	wrdreg $0xFFFFFFFF  }
0xa7: {  	s28 =	simm.s32 $_size_execute0_lowered;
	s2 =	sadd.s32 s2, s4;
	[dreg:$0x0] =	wrdreg $0x0  }
0xa8: {  	s4 =	sshll.u32 s28, $0x1;
	[dreg:$0x2] =	wrdreg s2  }
0xa9: {  	[dreg:$0x3] =	wrdreg s4  }
0xaa: {  	[dreg:$0x4] =	wrdreg $0xC0  }
0xab: {  	_ =	task [dreg:s6], $0x5FFFF  }
0xac: {  	[dreg:$0x1] =	wrdreg $0xFFFFFFFF  }
0xad: {  	[dreg:$0x0] =	wrdreg $0x60  }
0xae: {  	[dreg:$0x2] =	wrdreg s24  }
0xaf: {  	[dreg:$0x3] =	wrdreg $0x9  }
0xb0: {  	_ =	task.clear_ibuf [dreg:s6], $0x4FFFF;
	_ =	strace $0x90000046  }
0xb1: {  	s29 =	simm.s32 $0x9;
	_ =	strace $0x80000048  }
0xb2: {  	_ =	swait.ge [sflag:s29], $0x1  }
0xb3: {  	[sflag:s29] =	ssyncadd.s32 $0xFFFFFFFF  }
0xb4: {  	_ =	strace $0x90000048  }
0xb5: {  	_ =	sfence  }
0xb6: {  	s30 =	sld [smem:$0x0];
	_ =	sdelay $0x2  }
0xb7: {  	s31 =	sshll.u32 s1, $0xD;
	s1 =	sshrl.u32 s1, $0x2  }
0xb8: {  	s3 =	sand.u32 $0x4000, s31;
	s1 =	sadd.s32 s1, s30  }
0xb9: {  	s0 =	sor.u32 s3, s0;
	s1 =	sshll.u32 s1, $0x11  }
0xba: {  	s0 =	sor.u32 s1, s0  }
0xbb: {  	s0 =	sadd.s32 $0x8F2B, s0  }
0xbc: {  	[sflag:s0] =	ssyncadd.remote.s32 $0x1  }
0xbd: {  	_ =	sfence.sel $0xFFFF  }
0xbe: {  	[dreg:$0x0] =	wrdreg $0xFFFFFFFF;
	(pc) =	sbr.abs _section_cstart, $3  }
0xbf: {  	[dreg:$0x1] =	wrdreg $0xFFFFFFFF  }
0xc0: {  	_ =	task.clear_ibuf [dreg:s6], $0x2FFFF;
	_ =	strace $0x9FFFFFFF  }
0xc1: {  	(tm) =	ssettm $0x7FFFFFFF  }
tec
execute0_lowered:
.L_overlay_start_1:
0x0: {  	(tag) =	ssettag $0x1  }
0x1: {  	s4 =	rddreg [dreg:$0x0];
	s2 =	srdreg.scid  }
0x2: {  	s0 =	rddreg [dreg:$0x1];
	s1 =	stileid.u32  }
0x3: {  	s9 =	simm.s32 $0x4000;
	s10 =	simm.s32 $0x80;
	s11 =	simm.s32 $0x4E00  }
0x4: {  	s12 =	simm.s32 $0x100;
	s13 =	simm.s32 $0x5C00;
	s14 =	simm.s32 $0x180  }
0x5: {  	s15 =	simm.s32 $0x6A00;
	s16 =	simm.s32 $0x200;
	s17 =	simm.s32 $0x7800  }
0x6: {  	s18 =	simm.s32 $0x280;
	s19 =	simm.s32 $0x8600;
	s20 =	simm.s32 $0x300  }
0x7: {  	s21 =	simm.s32 $0x9400;
	s22 =	simm.s32 $0x1;
	s23 =	simm.s32 $0xB000  }
0x8: {  	s24 =	simm.s32 $0x0;
	s3 =	sand.u32 $0x1, s2;
	s2 =	simm.s32 $0x0  }
0x9: {  	s6 =	sshll.u32 s1, $0x7;
	s5 =	sshll.u32 s3, $0xB;
	[smem:$0x7FF] =	sst s2  }
0xa: {  	s7 =	ssub.s32 $0x2, s3;
	s3 =	sadd.s32 $0x800, s4;
	s5 =	sor.u32 s6, s5  }
0xb: {  	_ =	strace $0x80000047;
	s8 =	sshrl.u32 s7, $0x1;
	s6 =	sshll.u32 s5, $0x4  }
0xc: {  	s5 =	sshll.u32 s5, $0x3;
	s7 =	ssub.s32 s7, s8;
	s6 =	sadd.s32 s6, s4  }
0xd: {  	s8 =	simm.s32 $0x38;
	s5 =	sadd.s32 s5, s4;
	s4 =	sadd.s32 $0xC8800, s6  }
0xe: {  	s5 =	sadd.s32 $0xD8800, s5;
	s6 =	smax.u32 s7, $0x1;
	s7 =	simm.s32 $0x2  }
.LBB2_1:
0xf: {  	[tilespmem:s2], [sflag:$0x2] =	stream.linear.gather [hbm4b:s4+s2], $0x4000, $0x38;
	[tilespmem:$0xD000] =	vst v63  }
0x10: {  	_ =	swait.ge [sflag:s7], $0x4000  }
0x11: {  	[sflag:s7] =	ssyncset.done $0x0  }
0x12: {  	[sflag:s7] =	ssyncadd.s32 $0xFFFFC000  }
0x13: {  	[tilespmem:s9], [sflag:$0x1] =	stream.indirect.gather [hbm4b:s3+s8], $0x40, s2, s8, $0xb8;
	[tilespmem:$0xD000] =	vst v63  }
0x14: {  	_ = 	snop  }
0x15: {  	[tilespmem:s11], [sflag:$0x1] =	stream.indirect.gather [hbm4b:s3+s8], $0x40, s10, s8, $0xb8;
	[tilespmem:$0xD000] =	vst v63  }
0x16: {  	_ = 	snop  }
0x17: {  	[tilespmem:s13], [sflag:$0x1] =	stream.indirect.gather [hbm4b:s3+s8], $0x40, s12, s8, $0xb8;
	[tilespmem:$0xD000] =	vst v63  }
0x18: {  	_ = 	snop  }
0x19: {  	[tilespmem:s15], [sflag:$0x1] =	stream.indirect.gather [hbm4b:s3+s8], $0x40, s14, s8, $0xb8;
	[tilespmem:$0xD000] =	vst v63  }
0x1a: {  	_ = 	snop  }
0x1b: {  	[tilespmem:s17], [sflag:$0x1] =	stream.indirect.gather [hbm4b:s3+s8], $0x40, s16, s8, $0xb8;
	[tilespmem:$0xD000] =	vst v63  }
0x1c: {  	_ = 	snop  }
0x1d: {  	[tilespmem:s19], [sflag:$0x1] =	stream.indirect.gather [hbm4b:s3+s8], $0x40, s18, s8, $0xb8;
	[tilespmem:$0xD000] =	vst v63  }
0x1e: {  	s25 =	simm.s32 $0x380;
	s26 =	simm.s32 $0xB020;
	s28 =	simm.s32 $0x0  }
0x1f: {  	[tilespmem:s21], [sflag:$0x1] =	stream.indirect.gather [hbm4b:s3+s8], $0x40, s20, s8, $0xb8;
	[tilespmem:$0xD000] =	vst v63  }
.LBB2_2:
0x20: {  	p0 =	sgt.u32 s28, $0x78  }
0x21: {  	s29 =	sadd.s32 @!p0 $0xFFFFFFFF, s28  }
0x22: {  	s29 =	sand.u32 @!p0 $0x7, s29  }
0x23: {  	s29 =	smul.u32 @!p0 $0x3800, s29;
	_ =	sdelay $0x1  }
0x24: {  	s29 =	sshrl.u32 @!p0 s29, $0x2  }
0x25: {  	s31 =	sand.u32 $0x7, s28;
	s30 =	simm.s32 @!p0 $0x38;
	s29 =	sadd.s32 @!p0 $0x4000, s29  }
0x26: {  	[tilespmem:s29], [sflag:$0x1] =	stream.indirect.gather @!p0 [hbm4b:s3+s30], $0x40, s25, s30, $0xb8;
	[tilespmem:$0xD000] =	vst v63  }
0x27: {  	s29 =	smul.u32 $0x3800, s31;
	_ =	swait.ge [sflag:s22], $0xE00  }
0x28: {  	[sflag:s22] =	ssyncset.done $0x0  }
0x29: {  	s29 =	sshrl.u32 s29, $0x2;
	[sflag:s22] =	ssyncadd.s32 $0xFFFFF200  }
0x2a: {  	v0 =	vld [tilespmem:s29+$0x43B0];
	_ =	sdelay $0x4  }
0x2b: {  	[tilespmem:$0x1FD60] =	vst v0;
	v0 =	vld [tilespmem:s29+$0x4410];
	_ =	sdelay $0x4  }
0x2c: {  	[tilespmem:$0x1FD80] =	vst v0;
	v0 =	vld [tilespmem:s29+$0x4420];
	_ =	sdelay $0x4  }
0x2d: {  	[tilespmem:$0x1FD90] =	vst v0;
	v0 =	vld [tilespmem:s29+$0x4430];
	_ =	sdelay $0x4  }
0x2e: {  	[tilespmem:$0x1FDB0] =	vst v0;
	v0 =	vld [tilespmem:s29+$0x4440];
	_ =	sdelay $0x4  }
0x2f: {  	[tilespmem:$0x1FDA0] =	vst v0;
	v0 =	vld [tilespmem:s29+$0x4450];
	_ =	sdelay $0x4  }
0x30: {  	[tilespmem:$0x1FDC0] =	vst v0;
	v0 =	vld [tilespmem:s29+$0x4460];
	_ =	sdelay $0x4  }
0x31: {  	[tilespmem:$0x1FDD0] =	vst v0;
	v0 =	vld [tilespmem:s29+$0x4470];
	_ =	sdelay $0x4  }
0x32: {  	[tilespmem:$0x1FDF0] =	vst v0;
	v0 =	vld [tilespmem:s29+$0x4480];
	_ =	sdelay $0x4  }
0x33: {  	[tilespmem:$0x1FDE0] =	vst v0;
	v0 =	vld [tilespmem:s29+$0x4490];
	_ =	sdelay $0x4  }
0x34: {  	[tilespmem:$0x1FE00] =	vst v0;
	v0 =	vld [tilespmem:s29+$0x44A0];
	_ =	sdelay $0x4  }
0x35: {  	[tilespmem:$0x1FE10] =	vst v0;
	v0 =	vld [tilespmem:s29+$0x44B0];
	_ =	sdelay $0x4  }
0x36: {  	[tilespmem:$0x1FE30] =	vst v0;
	v0 =	vld [tilespmem:s29+$0x44C0];
	_ =	sdelay $0x4  }
0x37: {  	[tilespmem:$0x1FE20] =	vst v0;
	v0 =	vld [tilespmem:s29+$0x44D0];
	_ =	sdelay $0x4  }
0x38: {  	[tilespmem:$0x1FE40] =	vst v0;
	v0 =	vld [tilespmem:s29+$0x44E0];
	_ =	sdelay $0x4  }
0x39: {  	[tilespmem:$0x1FE50] =	vst v0;
	v0 =	vld [tilespmem:s29+$0x44F0];
	_ =	sdelay $0x4  }
0x3a: {  	[tilespmem:$0x1FE70] =	vst v0;
	v0 =	vld [tilespmem:s29+$0x4500];
	_ =	sdelay $0x4  }
0x3b: {  	[tilespmem:$0x1FE60] =	vst v0;
	v0 =	vld [tilespmem:s29+$0x4510];
	_ =	sdelay $0x4  }
0x3c: {  	[tilespmem:$0x1FE80] =	vst v0;
	v0 =	vld [tilespmem:s29+$0x4520];
	_ =	sdelay $0x1  }
0x3d: {  	v8 =	vld [tilespmem:s29+$0x4000]  }
0x3e: {  	v9 =	vld [tilespmem:s29+$0x4010]  }
0x3f: {  	v12 =	vld [tilespmem:s29+$0x4020]  }
0x40: {  	[tilespmem:$0x1FE90] =	vst v0;
	v0 =	vld [tilespmem:s29+$0x4530]  }
0x41: {  	v13 =	vld [tilespmem:s29+$0x4030]  }
0x42: {  	v24 =	vld [tilespmem:s29+$0x4040]  }
0x43: {  	v25 =	vld [tilespmem:s29+$0x4050]  }
0x44: {  	v28 =	vld [tilespmem:s29+$0x4060]  }
0x45: {  	[tilespmem:$0x1FEB0] =	vst v0;
	v0 =	vld [tilespmem:s29+$0x4540]  }
0x46: {  	v29 =	vld [tilespmem:s29+$0x4070]  }
0x47: {  	v40 =	vld [tilespmem:s29+$0x4080]  }
0x48: {  	v41 =	vld [tilespmem:s29+$0x4090]  }
0x49: {  	v44 =	vld [tilespmem:s29+$0x40A0]  }
0x4a: {  	[tilespmem:$0x1FEA0] =	vst v0;
	v0 =	vld [tilespmem:s29+$0x4550]  }
0x4b: {  	v45 =	vld [tilespmem:s29+$0x40B0]  }
0x4c: {  	v56 =	vld [tilespmem:s29+$0x40C0]  }
0x4d: {  	v57 =	vld [tilespmem:s29+$0x40D0]  }
0x4e: {  	v60 =	vld [tilespmem:s29+$0x40E0]  }
0x4f: {  	[tilespmem:$0x1FEC0] =	vst v0;
	v0 =	vld [tilespmem:s29+$0x4560]  }
0x50: {  	v61 =	vld [tilespmem:s29+$0x40F0]  }
0x51: {  	v1 =	vld [tilespmem:s29+$0x4100]  }
0x52: {  	v3 =	vld [tilespmem:s29+$0x4110]  }
0x53: {  	v4 =	vld [tilespmem:s29+$0x4120]  }
0x54: {  	[tilespmem:$0x1FED0] =	vst v0;
	v0 =	vld [tilespmem:s29+$0x4570]  }
0x55: {  	v7 =	vld [tilespmem:s29+$0x4130]  }
0x56: {  	v2 =	vld [tilespmem:s29+$0x4140]  }
0x57: {  	v6 =	vld [tilespmem:s29+$0x4150]  }
0x58: {  	v10 =	vld [tilespmem:s29+$0x4160]  }
0x59: {  	[tilespmem:$0x1FEF0] =	vst v0;
	v0 =	vld [tilespmem:s29+$0x4580]  }
0x5a: {  	v15 =	vld [tilespmem:s29+$0x4170]  }
0x5b: {  	v5 =	vld [tilespmem:s29+$0x4180]  }
0x5c: {  	v14 =	vld [tilespmem:s29+$0x4190]  }
0x5d: {  	v16 =	vld [tilespmem:s29+$0x41A0]  }
0x5e: {  	[tilespmem:$0x1FEE0] =	vst v0;
	v0 =	vld [tilespmem:s29+$0x4590]  }
0x5f: {  	v19 =	vld [tilespmem:s29+$0x41B0]  }
0x60: {  	v11 =	vld [tilespmem:s29+$0x41C0]  }
0x61: {  	v18 =	vld [tilespmem:s29+$0x41D0]  }
0x62: {  	v20 =	vld [tilespmem:s29+$0x41E0]  }
0x63: {  	[tilespmem:$0x1FF00] =	vst v0;
	v0 =	vld [tilespmem:s29+$0x45A0]  }
0x64: {  	v23 =	vld [tilespmem:s29+$0x41F0]  }
0x65: {  	v17 =	vld [tilespmem:s29+$0x4200]  }
0x66: {  	v22 =	vld [tilespmem:s29+$0x4210]  }
0x67: {  	v26 =	vld [tilespmem:s29+$0x4220]  }
0x68: {  	[tilespmem:$0x1FF10] =	vst v0;
	v0 =	vld [tilespmem:s29+$0x45B0]  }
0x69: {  	v31 =	vld [tilespmem:s29+$0x4230]  }
0x6a: {  	v21 =	vld [tilespmem:s29+$0x4240]  }
0x6b: {  	v30 =	vld [tilespmem:s29+$0x4250]  }
0x6c: {  	v32 =	vld [tilespmem:s29+$0x4260]  }
0x6d: {  	[tilespmem:$0x1FF30] =	vst v0;
	v0 =	vld [tilespmem:s29+$0x45C0]  }
0x6e: {  	v35 =	vld [tilespmem:s29+$0x4270]  }
0x6f: {  	v27 =	vld [tilespmem:s29+$0x4280]  }
0x70: {  	v34 =	vld [tilespmem:s29+$0x4290]  }
0x71: {  	v36 =	vld [tilespmem:s29+$0x42A0]  }
0x72: {  	[tilespmem:$0x1FF20] =	vst v0;
	v0 =	vld [tilespmem:s29+$0x45D0]  }
0x73: {  	v39 =	vld [tilespmem:s29+$0x42B0]  }
0x74: {  	v33 =	vld [tilespmem:s29+$0x42C0]  }
0x75: {  	v38 =	vld [tilespmem:s29+$0x42D0]  }
0x76: {  	v42 =	vld [tilespmem:s29+$0x42E0]  }
0x77: {  	[tilespmem:$0x1FF40] =	vst v0;
	v0 =	vld [tilespmem:s29+$0x45E0]  }
0x78: {  	v48 =	vld [tilespmem:s29+$0x42F0]  }
0x79: {  	v37 =	vld [tilespmem:s29+$0x4300];
	v9 =	vadd.f32 $0.0e+00, v9  }
0x7a: {  	v46 =	vld [tilespmem:s29+$0x4310]  }
0x7b: {  	v47 =	vld [tilespmem:s29+$0x4320];
	v9 =	vadd.f32 v25, v9  }
0x7c: {  	[tilespmem:$0x1FF50] =	vst v0;
	v0 =	vld [tilespmem:s29+$0x45F0]  }
0x7d: {  	v52 =	vld [tilespmem:s29+$0x4330];
	v9 =	vadd.f32 v41, v9  }
0x7e: {  	v43 =	vld [tilespmem:s29+$0x4340]  }
0x7f: {  	v50 =	vld [tilespmem:s29+$0x4350];
	v9 =	vadd.f32 v57, v9  }
0x80: {  	v51 =	vld [tilespmem:s29+$0x4360]  }
0x81: {  	v3 =	vadd.f32 v3, v9;
	[tilespmem:$0x1FF70] =	vst v0;
	v0 =	vld [tilespmem:s29+$0x4600]  }
0x82: {  	v58 =	vld [tilespmem:s29+$0x4370]  }
0x83: {  	v49 =	vld [tilespmem:s29+$0x4380];
	v3 =	vadd.f32 v6, v3  }
0x84: {  	v62 =	vld [tilespmem:s29+$0x4390]  }
0x85: {  	v59 =	vld [tilespmem:s29+$0x43A0];
	v3 =	vadd.f32 v14, v3  }
0x86: {  	[tilespmem:$0x1FF60] =	vst v0;
	v0 =	vld [tilespmem:s29+$0x4610]  }
0x87: {  	v55 =	vld [tilespmem:s29+$0x43F0];
	v3 =	vadd.f32 v18, v3  }
0x88: {  	v63 =	vld [tilespmem:s29+$0x43C0]  }
0x89: {  	v54 =	vld [tilespmem:s29+$0x43D0];
	v3 =	vadd.f32 v22, v3  }
0x8a: {  	v53 =	vld [tilespmem:s29+$0x43E0]  }
0x8b: {  	v3 =	vadd.f32 v30, v3;
	[tilespmem:$0x1FF80] =	vst v0;
	v0 =	vld [tilespmem:s29+$0x4620]  }
0x8c: {  	[tilespmem:$0x1FD70] =	vst v55;
	v55 =	vld [tilespmem:s29+$0x4400];
	v25 =	vadd.f32 $0.0e+00, v13  }
0x8d: {  	v13 =	vld [tilespmem:s29+$0x46B0];
	v3 =	vadd.f32 v34, v3  }
0x8e: {  	v29 =	vadd.f32 v29, v25;
	v25 =	vld [tilespmem:s29+$0x46D0]  }
0x8f: {  	v41 =	vld [tilespmem:s29+$0x4710];
	v3 =	vadd.f32 v38, v3  }
0x90: {  	[tilespmem:$0x1FF90] =	vst v0;
	v0 =	vld [tilespmem:s29+$0x4630]  }
0x91: {  	v57 =	vld [tilespmem:s29+$0x4750];
	v3 =	vadd.f32 v46, v3  }
0x92: {  	v6 =	vld [tilespmem:s29+$0x47A0]  }
0x93: {  	v14 =	vld [tilespmem:s29+$0x47F0];
	v3 =	vadd.f32 v50, v3  }
0x94: {  	v30 =	vld [tilespmem:$0x1FD80]  }
0x95: {  	v3 =	vadd.f32 v62, v3;
	[tilespmem:$0x1FFB0] =	vst v0;
	v0 =	vld [tilespmem:s29+$0x4640]  }
0x96: {  	v18 =	vld [tilespmem:s29+$0x4830]  }
0x97: {  	v34 =	vld [tilespmem:$0x1FDC0];
	v3 =	vadd.f32 v54, v3  }
0x98: {  	v22 =	vld [tilespmem:s29+$0x4870]  }
0x99: {  	v3 =	vadd.f32 v30, v3;
	v30 =	vld [tilespmem:s29+$0x48B0]  }
0x9a: {  	[tilespmem:$0x1FFA0] =	vst v0;
	v0 =	vld [tilespmem:s29+$0x4650]  }
0x9b: {  	v38 =	vld [tilespmem:$0x1FE00]  }
0x9c: {  	v3 =	vadd.f32 v34, v3;
	v34 =	vld [tilespmem:s29+$0x48F0]  }
0x9d: {  	v46 =	vld [tilespmem:$0x1FE40]  }
0x9e: {  	v50 =	vld [tilespmem:$0x1FE80]  }
0x9f: {  	[tilespmem:$0x1FFC0] =	vst v0;
	v0 =	vld [tilespmem:s29+$0x4660]  }
0xa0: {  	v3 =	vadd.f32 v38, v3;
	v38 =	vld [tilespmem:s29+$0x4930]  }
0xa1: {  	v54 =	vld [tilespmem:$0x1FEC0]  }
0xa2: {  	v3 =	vadd.f32 v46, v3;
	v62 =	vld [tilespmem:$0x1FF00]  }
0xa3: {  	v46 =	vld [tilespmem:$0x1FF20]  }
0xa4: {  	v3 =	vadd.f32 v50, v3;
	v50 =	vld [tilespmem:$0x1FF60];
	[tilespmem:$0x1FFD0] =	vst v0;
	v0 =	vadd.f32 $0.0e+00, v8  }
0xa5: {  	v8 =	vld [tilespmem:s29+$0x4670]  }
0xa6: {  	v3 =	vadd.f32 v54, v3;
	v54 =	vld [tilespmem:$0x1FFA0];
	v24 =	vadd.f32 v24, v0  }
0xa7: {  	v0 =	vadd.f32 $0.0e+00, v12;
	v12 =	vld [tilespmem:s29+$0x4690]  }
0xa8: {  	v40 =	vadd.f32 v40, v24;
	v24 =	vld [tilespmem:s29+$0x46C0]  }
0xa9: {  	v0 =	vadd.f32 v28, v0;
	v28 =	vld [tilespmem:s29+$0x46E0]  }
0xaa: {  	[tilespmem:$0x1FFE0] =	vst v8;
	v8 =	vld [tilespmem:s29+$0x4680]  }
0xab: {  	v40 =	vadd.f32 v56, v40;
	v56 =	vadd.f32 v45, v29;
	v29 =	vld [tilespmem:s29+$0x46F0]  }
0xac: {  	v0 =	vadd.f32 v44, v0;
	v44 =	vld [tilespmem:s29+$0x4720]  }
0xad: {  	v45 =	vld [tilespmem:s29+$0x4730]  }
0xae: {  	v3 =	vadd.f32 v62, v3;
	v62 =	vld [tilespmem:$0x1FFE0]  }
0xaf: {  	[tilespmem:$0x1FFF0] =	vst v12;
	v12 =	vld [tilespmem:s29+$0x46A0]  }
0xb0: {  	v1 =	vadd.f32 v1, v40;
	v40 =	vld [tilespmem:s29+$0x4700]  }
0xb1: {  	v61 =	vadd.f32 v61, v56;
	v56 =	vld [tilespmem:s29+$0x4740]  }
0xb2: {  	v0 =	vadd.f32 v60, v0;
	v60 =	vld [tilespmem:s29+$0x4760]  }
0xb3: {  	v9 =	vadd.f32 v7, v61;
	v61 =	vld [tilespmem:s29+$0x4770]  }
0xb4: {  	v0 =	vadd.f32 v4, v0;
	v1 =	vadd.f32 v2, v1;
	v4 =	vld [tilespmem:s29+$0x4780]  }
0xb5: {  	v7 =	vld [tilespmem:s29+$0x47B0]  }
0xb6: {  	v1 =	vadd.f32 v5, v1;
	v5 =	vld [tilespmem:s29+$0x4790]  }
0xb7: {  	v2 =	vadd.f32 v15, v9;
	v9 =	vld [tilespmem:s29+$0x47C0]  }
0xb8: {  	v0 =	vadd.f32 v10, v0;
	v10 =	vld [tilespmem:s29+$0x47D0]  }
0xb9: {  	v15 =	vld [tilespmem:s29+$0x4800]  }
0xba: {  	v1 =	vadd.f32 v11, v1;
	v11 =	vld [tilespmem:s29+$0x47E0]  }
0xbb: {  	v0 =	vadd.f32 v16, v0;
	v16 =	vld [tilespmem:s29+$0x4810]  }
0xbc: {  	v2 =	vadd.f32 v19, v2;
	v19 =	vld [tilespmem:s29+$0x4840]  }
0xbd: {  	v1 =	vadd.f32 v17, v1;
	v17 =	vld [tilespmem:s29+$0x4820]  }
0xbe: {  	v0 =	vadd.f32 v20, v0;
	v20 =	vld [tilespmem:s29+$0x4850]  }
0xbf: {  	v2 =	vadd.f32 v23, v2;
	v23 =	vld [tilespmem:s29+$0x4880]  }
0xc0: {  	v0 =	vadd.f32 v26, v0;
	v26 =	vld [tilespmem:$0x1FD60]  }
0xc1: {  	v1 =	vadd.f32 v21, v1;
	v21 =	vld [tilespmem:s29+$0x4860]  }
0xc2: {  	v2 =	vadd.f32 v31, v2;
	v31 =	vld [tilespmem:$0x1FD90]  }
0xc3: {  	v1 =	vadd.f32 v27, v1;
	v27 =	vld [tilespmem:$0x1FD70]  }
0xc4: {  	v0 =	vadd.f32 v32, v0;
	v32 =	vld [tilespmem:$0x1FDA0]  }
0xc5: {  	v2 =	vadd.f32 v35, v2;
	v35 =	vld [tilespmem:$0x1FDD0]  }
0xc6: {  	v1 =	vadd.f32 v33, v1;
	v33 =	vld [tilespmem:$0x1FDB0]  }
0xc7: {  	v0 =	vadd.f32 v36, v0;
	v36 =	vld [tilespmem:$0x1FDE0]  }
0xc8: {  	v2 =	vadd.f32 v39, v2;
	v39 =	vld [tilespmem:$0x1FE10]  }
0xc9: {  	v1 =	vadd.f32 v37, v1;
	v37 =	vld [tilespmem:$0x1FDF0]  }
0xca: {  	v0 =	vadd.f32 v42, v0;
	v42 =	vld [tilespmem:$0x1FE20]  }
0xcb: {  	v2 =	vadd.f32 v48, v2;
	v48 =	vld [tilespmem:$0x1FE60]  }
0xcc: {  	v1 =	vadd.f32 v43, v1;
	v43 =	vld [tilespmem:$0x1FE30]  }
0xcd: {  	v0 =	vadd.f32 v47, v0;
	v47 =	vld [tilespmem:$0x1FE50]  }
0xce: {  	v2 =	vadd.f32 v52, v2;
	v52 =	vld [tilespmem:$0x1FEA0]  }
0xcf: {  	v1 =	vadd.f32 v49, v1;
	v49 =	vld [tilespmem:$0x1FE70]  }
0xd0: {  	v0 =	vadd.f32 v51, v0;
	v2 =	vadd.f32 v58, v2;
	v51 =	vld [tilespmem:$0x1FE90]  }
0xd1: {  	v58 =	vld [tilespmem:$0x1FEE0]  }
0xd2: {  	v2 =	vadd.f32 v26, v2;
	v26 =	vld [tilespmem:s29+$0x4890]  }
0xd3: {  	v0 =	vadd.f32 v59, v0;
	v59 =	vld [tilespmem:$0x1FEF0]  }
0xd4: {  	v1 =	vadd.f32 v63, v1;
	v63 =	vld [tilespmem:$0x1FF10]  }
0xd5: {  	v2 =	vadd.f32 v27, v2;
	v27 =	vld [tilespmem:s29+$0x48A0]  }
0xd6: {  	v0 =	vadd.f32 v53, v0;
	v53 =	vld [tilespmem:$0x1FEB0]  }
0xd7: {  	v1 =	vadd.f32 v55, v1;
	v55 =	vld [tilespmem:$0x1FED0]  }
0xd8: {  	v0 =	vadd.f32 v31, v0;
	v31 =	vld [tilespmem:s29+$0x48C0]  }
0xd9: {  	v1 =	vadd.f32 v32, v1;
	v32 =	vld [tilespmem:s29+$0x48D0]  }
0xda: {  	v2 =	vadd.f32 v33, v2;
	v33 =	vld [tilespmem:s29+$0x48E0]  }
0xdb: {  	v0 =	vadd.f32 v35, v0;
	v35 =	vld [tilespmem:s29+$0x4900]  }
0xdc: {  	v1 =	vadd.f32 v36, v1;
	v36 =	vld [tilespmem:s29+$0x4910]  }
0xdd: {  	v2 =	vadd.f32 v37, v2;
	v37 =	vld [tilespmem:s29+$0x4920]  }
0xde: {  	v0 =	vadd.f32 v39, v0;
	v39 =	vld [tilespmem:s29+$0x4940]  }
0xdf: {  	v1 =	vadd.f32 v42, v1;
	v42 =	vld [tilespmem:s29+$0x4950]  }
0xe0: {  	v2 =	vadd.f32 v43, v2;
	v43 =	vld [tilespmem:s29+$0x4960]  }
0xe1: {  	v0 =	vadd.f32 v47, v0;
	v47 =	vld [tilespmem:$0x1FF30]  }
0xe2: {  	v1 =	vadd.f32 v48, v1;
	v48 =	vld [tilespmem:$0x1FF40]  }
0xe3: {  	v2 =	vadd.f32 v49, v2;
	v49 =	vld [tilespmem:$0x1FF50]  }
0xe4: {  	v0 =	vadd.f32 v51, v0;
	v51 =	vld [tilespmem:$0x1FF70]  }
0xe5: {  	v1 =	vadd.f32 v52, v1;
	v52 =	vld [tilespmem:$0x1FF80]  }
0xe6: {  	v2 =	vadd.f32 v53, v2;
	v53 =	vld [tilespmem:$0x1FF90]  }
0xe7: {  	v0 =	vadd.f32 v55, v0;
	v55 =	vld [tilespmem:$0x1FFB0]  }
0xe8: {  	v1 =	vadd.f32 v58, v1;
	v2 =	vadd.f32 v59, v2;
	v58 =	vld [tilespmem:$0x1FFC0]  }
0xe9: {  	v59 =	vld [tilespmem:$0x1FFD0];
	v3 =	vadd.f32 v48, v3;
	v0 =	vadd.f32 v63, v0  }
0xea: {  	v1 =	vadd.f32 v46, v1;
	v2 =	vadd.f32 v47, v2;
	v63 =	vld [tilespmem:$0x1FFF0]  }
0xeb: {  	v48 =	vld [tilespmem:s29+$0x4990];
	v3 =	vadd.f32 v52, v3;
	v0 =	vadd.f32 v49, v0  }
0xec: {  	v46 =	vld [tilespmem:s29+$0x4970];
	v1 =	vadd.f32 v50, v1;
	v2 =	vadd.f32 v51, v2  }
0xed: {  	v47 =	vld [tilespmem:s29+$0x4980];
	v3 =	vadd.f32 v58, v3;
	v0 =	vadd.f32 v53, v0  }
0xee: {  	v52 =	vld [tilespmem:s29+$0x4A10];
	v1 =	vadd.f32 v54, v1;
	v2 =	vadd.f32 v55, v2  }
0xef: {  	v49 =	vld [tilespmem:s29+$0x49A0];
	v3 =	vadd.f32 v63, v3;
	v0 =	vadd.f32 v59, v0  }
0xf0: {  	v50 =	vld [tilespmem:s29+$0x49C0];
	v1 =	vadd.f32 v8, v1;
	v2 =	vadd.f32 v62, v2  }
0xf1: {  	v51 =	vld [tilespmem:s29+$0x4A00];
	v3 =	vadd.f32 v25, v3;
	v0 =	vadd.f32 v12, v0  }
0xf2: {  	v58 =	vld [tilespmem:s29+$0x4A70];
	v1 =	vadd.f32 v24, v1;
	v2 =	vadd.f32 v13, v2  }
0xf3: {  	v53 =	vld [tilespmem:s29+$0x4A20];
	v3 =	vadd.f32 v41, v3;
	v0 =	vadd.f32 v28, v0  }
0xf4: {  	v54 =	vld [tilespmem:s29+$0x4A30];
	v1 =	vadd.f32 v40, v1;
	v2 =	vadd.f32 v29, v2  }
0xf5: {  	v55 =	vld [tilespmem:s29+$0x4A40];
	v3 =	vadd.f32 v57, v3;
	v0 =	vadd.f32 v44, v0  }
0xf6: {  	v63 =	vld [tilespmem:s29+$0x4AC0];
	v1 =	vadd.f32 v56, v1;
	v2 =	vadd.f32 v45, v2  }
0xf7: {  	v8 =	vld [tilespmem:s29+$0x49B0];
	v3 =	vadd.f32 v5, v3;
	v0 =	vadd.f32 v60, v0  }
0xf8: {  	v59 =	vld [tilespmem:s29+$0x4A80];
	v1 =	vadd.f32 v4, v1;
	v2 =	vadd.f32 v61, v2  }
0xf9: {  	v62 =	vld [tilespmem:s29+$0x4AB0];
	v3 =	vadd.f32 v10, v3;
	v0 =	vadd.f32 v6, v0  }
0xfa: {  	v12 =	vld [tilespmem:s29+$0x49D0];
	v1 =	vadd.f32 v9, v1;
	v2 =	vadd.f32 v7, v2  }
0xfb: {  	v13 =	vld [tilespmem:s29+$0x49E0];
	v3 =	vadd.f32 v16, v3;
	v0 =	vadd.f32 v11, v0  }
0xfc: {  	v24 =	vld [tilespmem:s29+$0x49F0];
	v1 =	vadd.f32 v15, v1;
	v2 =	vadd.f32 v14, v2  }
0xfd: {  	v41 =	vld [tilespmem:s29+$0x4B20];
	v3 =	vadd.f32 v20, v3;
	v0 =	vadd.f32 v17, v0  }
0xfe: {  	v40 =	vld [tilespmem:s29+$0x4B10];
	v1 =	vadd.f32 v19, v1;
	v2 =	vadd.f32 v18, v2  }
0xff: {  	v57 =	vld [tilespmem:s29+$0x4A60];
	v3 =	vadd.f32 v26, v3;
	v0 =	vadd.f32 v21, v0  }
0x100: {  	v56 =	vld [tilespmem:s29+$0x4A50];
	v1 =	vadd.f32 v23, v1;
	v2 =	vadd.f32 v22, v2  }
0x101: {  	v44 =	vld [tilespmem:s29+$0x4B50];
	v3 =	vadd.f32 v32, v3;
	v0 =	vadd.f32 v27, v0  }
0x102: {  	v45 =	vld [tilespmem:s29+$0x4B60];
	v1 =	vadd.f32 v31, v1;
	v2 =	vadd.f32 v30, v2  }
0x103: {  	v60 =	vld [tilespmem:s29+$0x4A90];
	v3 =	vadd.f32 v36, v3;
	v0 =	vadd.f32 v33, v0  }
0x104: {  	v61 =	vld [tilespmem:s29+$0x4AA0];
	v1 =	vadd.f32 v35, v1;
	v2 =	vadd.f32 v34, v2  }
0x105: {  	v32 =	vld [tilespmem:s29+$0x4AE0];
	v3 =	vadd.f32 v42, v3;
	v0 =	vadd.f32 v37, v0  }
0x106: {  	v31 =	vld [tilespmem:s29+$0x4AD0];
	v1 =	vadd.f32 v39, v1;
	v2 =	vadd.f32 v38, v2  }
0x107: {  	v36 =	vld [tilespmem:s29+$0x4B00];
	v3 =	vadd.f32 v48, v3;
	v0 =	vadd.f32 v43, v0  }
0x108: {  	v35 =	vld [tilespmem:s29+$0x4AF0];
	v1 =	vadd.f32 v47, v1;
	v2 =	vadd.f32 v46, v2  }
0x109: {  	v42 =	vld [tilespmem:s29+$0x4B30];
	v3 =	vadd.f32 v12, v3;
	v0 =	vadd.f32 v49, v0  }
0x10a: {  	v48 =	vld [tilespmem:s29+$0x4B90];
	v1 =	vadd.f32 v50, v1;
	v2 =	vadd.f32 v8, v2  }
0x10b: {  	v43 =	vld [tilespmem:s29+$0x4B40];
	v3 =	vadd.f32 v52, v3;
	v0 =	vadd.f32 v13, v0  }
0x10c: {  	v46 =	vld [tilespmem:s29+$0x4B70];
	v1 =	vadd.f32 v51, v1;
	v2 =	vadd.f32 v24, v2  }
0x10d: {  	v47 =	vld [tilespmem:s29+$0x4B80];
	v3 =	vadd.f32 v56, v3;
	v0 =	vadd.f32 v53, v0  }
0x10e: {  	v49 =	vld [tilespmem:s29+$0x4BA0];
	v1 =	vadd.f32 v55, v1;
	v2 =	vadd.f32 v54, v2  }
0x10f: {  	v50 =	vld [tilespmem:s29+$0x4BB0];
	v3 =	vadd.f32 v60, v3;
	v0 =	vadd.f32 v57, v0  }
0x110: {  	v52 =	vld [tilespmem:s29+$0x4BD0];
	v1 =	vadd.f32 v59, v1;
	v2 =	vadd.f32 v58, v2  }
0x111: {  	v51 =	vld [tilespmem:s29+$0x4BC0];
	v3 =	vadd.f32 v31, v3;
	v0 =	vadd.f32 v61, v0  }
0x112: {  	v56 =	vld [tilespmem:s29+$0x4C10];
	v1 =	vadd.f32 v63, v1;
	v2 =	vadd.f32 v62, v2  }
0x113: {  	v53 =	vld [tilespmem:s29+$0x4BE0];
	v3 =	vadd.f32 v40, v3;
	v0 =	vadd.f32 v32, v0  }
0x114: {  	v54 =	vld [tilespmem:s29+$0x4BF0];
	v1 =	vadd.f32 v36, v1;
	v2 =	vadd.f32 v35, v2  }
0x115: {  	v55 =	vld [tilespmem:s29+$0x4C00];
	v3 =	vadd.f32 v44, v3;
	v0 =	vadd.f32 v41, v0  }
0x116: {  	v60 =	vld [tilespmem:s29+$0x4C50];
	v1 =	vadd.f32 v43, v1;
	v2 =	vadd.f32 v42, v2  }
0x117: {  	v57 =	vld [tilespmem:s29+$0x4C20];
	v3 =	vadd.f32 v48, v3;
	v0 =	vadd.f32 v45, v0  }
0x118: {  	v58 =	vld [tilespmem:s29+$0x4C30];
	v1 =	vadd.f32 v47, v1;
	v2 =	vadd.f32 v46, v2  }
0x119: {  	v59 =	vld [tilespmem:s29+$0x4C40];
	v3 =	vadd.f32 v52, v3;
	v0 =	vadd.f32 v49, v0  }
0x11a: {  	v61 =	vld [tilespmem:s29+$0x4C60];
	v1 =	vadd.f32 v51, v1;
	v2 =	vadd.f32 v50, v2  }
0x11b: {  	v62 =	vld [tilespmem:s29+$0x4C70];
	v3 =	vadd.f32 v56, v3;
	v0 =	vadd.f32 v53, v0  }
0x11c: {  	s28 =	sadd.s32 $0x1, s28;
	v1 =	vadd.f32 v55, v1;
	v2 =	vadd.f32 v54, v2  }
0x11d: {  	p0 =	sne.s32 s28, $0x80;
	v3 =	vadd.f32 v60, v3;
	v0 =	vadd.f32 v57, v0  }
.Ltmp0:
0x11e: {  	v1 =	vadd.f32 v59, v1;
	v2 =	vadd.f32 v58, v2;
	(pc) =	sbr.rel @p0 .LBB2_2-.Ltmp0, $4  }
0x11f: {  	[tilespmem:s26+$0xFFFFFFF0] =	vst v3;
	v0 =	vadd.f32 v61, v0  }
0x120: {  	[tilespmem:s26+$0xFFFFFFE0] =	vst v1;
	v63 =	vadd.f32 v62, v2  }
0x121: {  	[tilespmem:s26+$0x0] =	vst v0  }
0x122: {  	s25 =	sadd.s32 $0x80, s25;
	[tilespmem:s26+$0x10] =	vst v63;
	s26 =	sadd.s32 $0x40, s26  }
0x123: {  	s24 =	sadd.s32 $0x1, s24  }
0x124: {  	p0 =	sne.s32 s24, s6  }
.Ltmp1:
0x125: {  	_ = 	snop;
	(pc) =	sbr.rel @p0 .LBB2_1-.Ltmp1, $4  }
0x126: {  	[hbm4b:s5+s2] =	stream.linear.scatter [tilespmem:s23], [sflag:$0x2], $0x2000, $0x38;
	[tilespmem:$0xD000] =	vst v63  }
0x127: {  	_ =	swait.ge [sflag:s7], $0x2000  }
0x128: {  	[sflag:s7] =	ssyncset.done $0x0  }
0x129: {  	[sflag:s7] =	ssyncadd.s32 $0xFFFFE000  }
0x12a: {  	_ =	sfence.sel $0x180000  }
0x12b: {  	[bflag:$0x0] =	sbarrier.arrive $0xFFFF  }
0x12c: {  	p0 =	sne.s32 s1, $0x0;
	_ =	strace $0x90000047  }
0x12d: {  	s0 =	sadd.s32 @!p0 $0x100000, s0;
	[bflag:$0x2] =	sbarrier.arrive $0xFFFF  }
0x12e: {  	[sflag:s0] =	ssyncadd.tile.s32 @!p0 $0x1;
	_ =	shalt  }
.Lfunc_end2:
_tile_overlayer_lowered:
.L_overlay_start_2:
0x12f: {  	(tag) =	ssettag $0x2  }
0x130: {  	s0 =	rddreg [dreg:$0x0];
	s2 =	stileid.u32  }
0x131: {  	s1 =	rddreg [dreg:$0x1];
	p0 =	sne.s32 s2, $0x0  }
0x132: {  	s3 =	rddreg [dreg:$0x2];
	[bflag:$0x3] =	sbarrier.arrive $0xFFFF;
	s2 =	simm.s32 @!p0 $0x1C02  }
0x133: {  	[timem:s3], [sflag:s2] =	dma.local @!p0 [hbm:s0], s1  }
0x134: {  	s0 =	simm.s32 @!p0 $0x2  }
0x135: {  	_ =	swait.ge @!p0 [sflag:s0], s1  }
0x136: {  	s1 =	ssub.s32 @!p0 $0x0, s1;
	[sflag:s0] =	ssyncset.done @!p0 $0x0  }
0x137: {  	[sflag:s0] =	ssyncadd.s32 @!p0 s1  }
0x138: {  	[bflag:$0x3] =	sbarrier.arrive $0xFFFF  }
0x139: {  	_ =	shalt  }

</sc_bundles>
